<compile_context>
chip_gen: v7x
topology: tpu7x:2x2x1
jax: 0.10.2.dev20260603
libtpu: 0.0.44.dev20260713+nightly
codegen_flags: <defaults>
</compile_context>

<pallas_src>
import functools
import math

import jax
import jax.numpy as jnp
from jax import lax
from jax.experimental import pallas as pl
from jax.experimental.pallas import tpu as pltpu
from jax.experimental.pallas import tpu_sc as plsc

_B, _L, _H, _E = 1, 2048, 12, 64
_S, _D = 2048, 64
_LB = 2048
_RB = 2048
_NLB = _L // _LB
_NRB = _L // _RB


def _attn_body(q_ref, k_ref, v_ref, o_ref, m_ref):
    qt = q_ref[0]
    kt = k_ref[0]
    vt = v_ref[0]
    st = lax.dot_general(kt, qt, (((0,), (0,)), ((), ())),
                         preferred_element_type=jnp.float32)
    acc = jnp.zeros((8, _LB), jnp.float32)
    for t in range(_S // 8):
        acc = acc + st[t * 8:(t + 1) * 8, :]
    x = acc[0:4] + acc[4:8]
    x = x[0:2] + x[2:4]
    rowsum = x[0:1] + x[1:2]
    rowmax = jnp.max(st, axis=0, keepdims=True)
    m_ref[0] = rowmax - rowsum * (1.0 / _S)
    p = jnp.exp((st - rowmax) * (1.0 / math.sqrt(_E)))
    denom = jnp.sum(p, axis=0, keepdims=True)
    pb = (p * (1.0 / denom)).astype(jnp.bfloat16)
    o = lax.dot_general(pb, vt.astype(jnp.bfloat16),
                        (((0,), (1,)), ((), ())),
                        preferred_element_type=jnp.float32)
    o_ref[0] = o


def _rank_body(mrow_ref, mcol_ref, idx_ref):
    h = pl.program_id(0)
    r = pl.program_id(1)
    row = mrow_ref[0]
    col = mcol_ref[0]
    gt = row > col
    eq = row == col
    j = lax.broadcasted_iota(jnp.int32, (_RB, _L), 1)
    i = lax.broadcasted_iota(jnp.int32, (_RB, _L), 0) + r * _RB
    wins = jnp.where(gt | (eq & (j < i)), 1, 0)
    rank = jnp.sum(wins, axis=1)
    idx_ref[0] = (rank * _H + h)[None, :]


_attn_call = pl.pallas_call(
    _attn_body,
    grid=(_H, _NLB),
    in_specs=[
        pl.BlockSpec((1, _E, _LB), lambda h, i: (h, 0, i)),
        pl.BlockSpec((1, _E, _S), lambda h, i: (h, 0, 0)),
        pl.BlockSpec((1, _D, _S), lambda h, i: (h, 0, 0)),
    ],
    out_specs=[
        pl.BlockSpec((1, _LB, _D), lambda h, i: (h, i, 0)),
        pl.BlockSpec((1, 1, _LB), lambda h, i: (h * _NLB + i, 0, 0)),
    ],
    out_shape=[
        jax.ShapeDtypeStruct((_H, _L, _D), jnp.float32),
        jax.ShapeDtypeStruct((_H * _NLB, 1, _LB), jnp.float32),
    ],
)

_rank_call = pl.pallas_call(
    _rank_body,
    grid=(_H, _NRB),
    in_specs=[
        pl.BlockSpec((1, 1, _L), lambda h, r: (h, 0, 0)),
        pl.BlockSpec((1, _RB, 1), lambda h, r: (h, r, 0)),
    ],
    out_specs=pl.BlockSpec((1, 1, _RB), lambda h, r: (h * _NRB + r, 0, 0)),
    out_shape=jax.ShapeDtypeStruct((_H * _NRB, 1, _RB), jnp.int32),
)

_NROWS = _H * _L
_IDX_MINOR = 128


def _make_scatter():
    info = plsc.get_sparse_core_info()
    nw = info.num_cores * info.num_subcores
    rows_per_w = _NROWS // nw
    chunks = rows_per_w // _IDX_MINOR

    @functools.partial(
        pl.kernel,
        out_type=jax.ShapeDtypeStruct((_NROWS, _D), jnp.float32),
        mesh=plsc.VectorSubcoreMesh(core_axis_name="c", subcore_axis_name="s"),
        scratch_types=[
            pltpu.VMEM((chunks, _IDX_MINOR), jnp.int32),
            pltpu.VMEM((rows_per_w, _D), jnp.float32),
            pltpu.SemaphoreType.DMA,
        ],
        compiler_params=pltpu.CompilerParams(use_tc_tiling_on_sc=False),
    )
    def scatter(o_hbm, idx_hbm, out_hbm, idx_v, rows_v, sem):
        wid = lax.axis_index("s") * info.num_cores + lax.axis_index("c")
        base = wid * rows_per_w
        pltpu.sync_copy(idx_hbm.at[wid], idx_v)
        pltpu.sync_copy(o_hbm.at[pl.ds(base, rows_per_w)], rows_v)
        for j in range(chunks):
            pltpu.async_copy(rows_v.at[pl.ds(j * _IDX_MINOR, _IDX_MINOR)],
                             out_hbm.at[idx_v.at[j]], sem).wait()

    return scatter, nw, chunks


def kernel(queries, keys, values):
    qt = jnp.transpose(queries[0], (1, 2, 0))
    kt = jnp.transpose(keys[0], (1, 2, 0))
    vt = jnp.transpose(values[0], (1, 2, 0))

    o, msp3 = _attn_call(qt, kt, vt)
    msp_row = msp3.reshape(_H, 1, _L)
    msp_col = msp3.reshape(_H, _L, 1)
    idx3 = _rank_call(msp_row, msp_col)

    scatter, nw, chunks = _make_scatter()
    idx_sc = idx3.reshape(nw, chunks, _IDX_MINOR)
    out_flat = scatter(o.reshape(_NROWS, _D), idx_sc)
    return out_flat.reshape(_B, _L, _H, _D)

# --- scband reference (transcript-rebuilt; emitter-appended) ---
"""Pipeline reference for scband-prob-sparse-attention-56573309223405 (READ-ONLY COPY).

The authoritative reference and input builder live on the scoring server;
editing this copy changes nothing except your own understanding.
"""

import math
import jax, jax.numpy as jnp
import numpy as np


def setup_inputs(seed: int = 0) -> dict:
    key = jax.random.key(seed)
    k1, k2, k3 = jax.random.split(key, 3)
    B, L, H, E = 1, 2048, 12, 64
    S, D = 2048, 64
    queries = jax.random.normal(k1, (B, L, H, E), dtype=jnp.float32)
    keys = jax.random.normal(k2, (B, S, H, E), dtype=jnp.float32)
    values = jax.random.normal(k3, (B, S, H, D), dtype=jnp.float32)
    return {"queries": queries, "keys": keys, "values": values}


def reference(queries, keys, values):
    B, L, H, E = queries.shape
    _, S, _, D = values.shape
    # _prob_sparse_sample
    if L > S:
        queries = queries[:, :S, :, :]
        L = S
    M = max(L * math.log(S), 1)
    scores = jnp.einsum('blhe,bshe->bhls', queries, keys)  # [B,H,L,S]
    M_sp = scores.max(axis=-1) - scores.sum(axis=-1) / S   # [B,H,L]
    k = int(min(M, L))  # since L*log(S) > L for S > e, k == L
    _, top_k = jax.lax.top_k(M_sp, k)                      # [B,H,k]
    topk_scores = jnp.take_along_axis(scores, top_k[..., None], axis=2)  # [B,H,k,S]
    topk_scores = topk_scores - topk_scores.max(axis=-1, keepdims=True)
    A = jax.nn.softmax(topk_scores / math.sqrt(E), axis=-1)
    V = jnp.einsum('bhls,bshd->blhd', A, values)           # [B,k,H,D]
    return V

if __name__ == "__main__":
    import jax
    _d = setup_inputs()
    print(jax.jit(kernel)(*tuple(_d.values())))

</pallas_src>

<mosaic_0001>
#map = affine_map<(d0, d1) -> (0, 0)>
#map1 = affine_map<(d0, d1) -> (0, 0, 0)>
module attributes {stable_mosaic.version = 14 : i64} {
  func.func @scatter(%arg0: i32, %arg1: i32, %arg2: memref<24576x64xf32, #tpu.memory_space<hbm>>, %arg3: memref<32x6x128xi32, #tpu.memory_space<hbm>>, %arg4: memref<24576x64xf32, #tpu.memory_space<hbm>>, %arg5: memref<6x128xi32, #tpu.memory_space<vmem>>, %arg6: memref<768x64xf32, #tpu.memory_space<vmem>>, %arg7: memref<!tpu.dma_semaphore, #tpu.memory_space<semaphore_mem>>) attributes {dimension_semantics = [#tpu.dimension_semantics<core_parallel>, #tpu.dimension_semantics<subcore_parallel>], iteration_bounds = array<i64: 2, 16>, scalar_prefetch = 0 : i64, scratch_operands = 3 : i64, tpu.core_type = #tpu.core_type<sc_vector_subcore>, window_params = [{transform_indices = #map}, {transform_indices = #map1}, {transform_indices = #map}]} {
    %mul3A = arith.constant 2 : i32
    %mul3A_0 = arith.muli %arg1, %mul3A : i32
    %add3A = arith.addi %mul3A_0, %arg0 : i32
    %mul3A_1 = arith.constant 768 : i32
    %mul3A_2 = arith.muli %add3A, %mul3A_1 : i32
    "tpu.region"() ({
      %run_scoped3A = tpu.sem_alloc : memref<!tpu.dma_semaphore, #tpu.memory_space<semaphore_mem>>
      %dma_start3A_121 = arith.constant 0 : i32
      %dma_start3A_122 = arith.constant 0 : i32
      %dma_start3A_123 = tpu.memref_slice %arg3[%add3A, %dma_start3A_121, %dma_start3A_122] : memref<32x6x128xi32, #tpu.memory_space<hbm>> -> memref<1x6x128xi32, #tpu.memory_space<hbm>>
      %dma_start3A_124 = tpu.memref_squeeze %dma_start3A_123 : memref<1x6x128xi32, #tpu.memory_space<hbm>> -> memref<6x128xi32, #tpu.memory_space<hbm>>
      %dma_start3A_125 = arith.constant 0 : i32
      %dma_start3A_126 = arith.constant 0 : i32
      %dma_start3A_127 = tpu.memref_slice %arg3[%add3A, %dma_start3A_125, %dma_start3A_126] : memref<32x6x128xi32, #tpu.memory_space<hbm>> -> memref<1x6x128xi32, #tpu.memory_space<hbm>>
      %dma_start3A_128 = tpu.memref_squeeze %dma_start3A_127 : memref<1x6x128xi32, #tpu.memory_space<hbm>> -> memref<6x128xi32, #tpu.memory_space<hbm>>
      tpu.enqueue_dma source(%dma_start3A_128 : memref<6x128xi32, #tpu.memory_space<hbm>>) target(%arg5 : memref<6x128xi32, #tpu.memory_space<vmem>>) target_semaphore(%run_scoped3A : memref<!tpu.dma_semaphore, #tpu.memory_space<semaphore_mem>>)
      %dma_wait3A_129 = arith.constant 0 : i32
      %dma_wait3A_130 = arith.constant 0 : i32
      %dma_wait3A_131 = tpu.memref_slice %arg3[%add3A, %dma_wait3A_129, %dma_wait3A_130] : memref<32x6x128xi32, #tpu.memory_space<hbm>> -> memref<1x6x128xi32, #tpu.memory_space<hbm>>
      %dma_wait3A_132 = tpu.memref_squeeze %dma_wait3A_131 : memref<1x6x128xi32, #tpu.memory_space<hbm>> -> memref<6x128xi32, #tpu.memory_space<hbm>>
      %dma_wait3A_133 = arith.constant 0 : i32
      %dma_wait3A_134 = arith.constant 0 : i32
      %dma_wait3A_135 = tpu.memref_slice %arg3[%add3A, %dma_wait3A_133, %dma_wait3A_134] : memref<32x6x128xi32, #tpu.memory_space<hbm>> -> memref<1x6x128xi32, #tpu.memory_space<hbm>>
      %dma_wait3A_136 = tpu.memref_squeeze %dma_wait3A_135 : memref<1x6x128xi32, #tpu.memory_space<hbm>> -> memref<6x128xi32, #tpu.memory_space<hbm>>
      tpu.wait_dma2 semaphore(%run_scoped3A : memref<!tpu.dma_semaphore, #tpu.memory_space<semaphore_mem>>) src(%dma_wait3A_136 : memref<6x128xi32, #tpu.memory_space<hbm>>) dst(%arg5 : memref<6x128xi32, #tpu.memory_space<vmem>>)
      tpu.yield
    }) : () -> ()
    "tpu.region"() ({
      %run_scoped3A = tpu.sem_alloc : memref<!tpu.dma_semaphore, #tpu.memory_space<semaphore_mem>>
      %dma_start3A_121 = arith.constant 0 : i32
      %dma_start3A_122 = tpu.memref_slice %arg2[%mul3A_2, %dma_start3A_121] : memref<24576x64xf32, #tpu.memory_space<hbm>> -> memref<768x64xf32, #tpu.memory_space<hbm>>
      %dma_start3A_123 = arith.constant 0 : i32
      %dma_start3A_124 = tpu.memref_slice %arg2[%mul3A_2, %dma_start3A_123] : memref<24576x64xf32, #tpu.memory_space<hbm>> -> memref<768x64xf32, #tpu.memory_space<hbm>>
      tpu.enqueue_dma source(%dma_start3A_124 : memref<768x64xf32, #tpu.memory_space<hbm>>) target(%arg6 : memref<768x64xf32, #tpu.memory_space<vmem>>) target_semaphore(%run_scoped3A : memref<!tpu.dma_semaphore, #tpu.memory_space<semaphore_mem>>)
      %dma_wait3A_125 = arith.constant 0 : i32
      %dma_wait3A_126 = tpu.memref_slice %arg2[%mul3A_2, %dma_wait3A_125] : memref<24576x64xf32, #tpu.memory_space<hbm>> -> memref<768x64xf32, #tpu.memory_space<hbm>>
      %dma_wait3A_127 = arith.constant 0 : i32
      %dma_wait3A_128 = tpu.memref_slice %arg2[%mul3A_2, %dma_wait3A_127] : memref<24576x64xf32, #tpu.memory_space<hbm>> -> memref<768x64xf32, #tpu.memory_space<hbm>>
      tpu.wait_dma2 semaphore(%run_scoped3A : memref<!tpu.dma_semaphore, #tpu.memory_space<semaphore_mem>>) src(%dma_wait3A_128 : memref<768x64xf32, #tpu.memory_space<hbm>>) dst(%arg6 : memref<768x64xf32, #tpu.memory_space<vmem>>)
      tpu.yield
    }) : () -> ()
    %dma_start3A = arith.constant 0 : i32
    %dma_start3A_3 = arith.constant 0 : i32
    %dma_start3A_4 = arith.constant 0 : i32
    %dma_start3A_5 = tpu.memref_slice %arg6[%dma_start3A_3, %dma_start3A_4] : memref<768x64xf32, #tpu.memory_space<vmem>> -> memref<128x64xf32, #tpu.memory_space<vmem>>
    %dma_start3A_6 = arith.constant 0 : i32
    %dma_start3A_7 = tpu.memref_slice %arg5[%dma_start3A, %dma_start3A_6] : memref<6x128xi32, #tpu.memory_space<vmem>> -> memref<1x128xi32, #tpu.memory_space<vmem>>
    %dma_start3A_8 = tpu.memref_squeeze %dma_start3A_7 : memref<1x128xi32, #tpu.memory_space<vmem>> -> memref<128xi32, #tpu.memory_space<vmem>>
    %dma_start3A_9 = arith.constant 0 : i32
    %dma_start3A_10 = arith.constant 0 : i32
    %dma_start3A_11 = tpu.memref_slice %arg4[%dma_start3A_9, %dma_start3A_10] : memref<24576x64xf32, #tpu.memory_space<hbm>> -> memref<24576x64xf32, #tpu.memory_space<hbm>>
    tpu.enqueue_indirect_dma source(%dma_start3A_5 : memref<128x64xf32, #tpu.memory_space<vmem>>) target(%dma_start3A_11 : memref<24576x64xf32, #tpu.memory_space<hbm>>) offsets(%dma_start3A_8 : memref<128xi32, #tpu.memory_space<vmem>>) semaphore(%arg7 : memref<!tpu.dma_semaphore, #tpu.memory_space<semaphore_mem>>)
    %dma_wait3A = arith.constant 0 : i32
    %dma_wait3A_12 = arith.constant 0 : i32
    %dma_wait3A_13 = arith.constant 0 : i32
    %dma_wait3A_14 = tpu.memref_slice %arg6[%dma_wait3A_12, %dma_wait3A_13] : memref<768x64xf32, #tpu.memory_space<vmem>> -> memref<128x64xf32, #tpu.memory_space<vmem>>
    %dma_wait3A_15 = arith.constant 0 : i32
    %dma_wait3A_16 = tpu.memref_slice %arg5[%dma_wait3A, %dma_wait3A_15] : memref<6x128xi32, #tpu.memory_space<vmem>> -> memref<1x128xi32, #tpu.memory_space<vmem>>
    %dma_wait3A_17 = tpu.memref_squeeze %dma_wait3A_16 : memref<1x128xi32, #tpu.memory_space<vmem>> -> memref<128xi32, #tpu.memory_space<vmem>>
    %dma_wait3A_18 = arith.constant 0 : i32
    %dma_wait3A_19 = arith.constant 0 : i32
    %dma_wait3A_20 = tpu.memref_slice %arg4[%dma_wait3A_18, %dma_wait3A_19] : memref<24576x64xf32, #tpu.memory_space<hbm>> -> memref<24576x64xf32, #tpu.memory_space<hbm>>
    tpu.wait_indirect_dma semaphore(%arg7 : memref<!tpu.dma_semaphore, #tpu.memory_space<semaphore_mem>>) src(%dma_wait3A_14 : memref<128x64xf32, #tpu.memory_space<vmem>>) dst(%dma_wait3A_20 : memref<24576x64xf32, #tpu.memory_space<hbm>>)
    %dma_start3A_21 = arith.constant 1 : i32
    %dma_start3A_22 = arith.constant 128 : i32
    %dma_start3A_23 = arith.constant 0 : i32
    %dma_start3A_24 = tpu.memref_slice %arg6[%dma_start3A_22, %dma_start3A_23] : memref<768x64xf32, #tpu.memory_space<vmem>> -> memref<128x64xf32, #tpu.memory_space<vmem>>
    %dma_start3A_25 = arith.constant 0 : i32
    %dma_start3A_26 = tpu.memref_slice %arg5[%dma_start3A_21, %dma_start3A_25] : memref<6x128xi32, #tpu.memory_space<vmem>> -> memref<1x128xi32, #tpu.memory_space<vmem>>
    %dma_start3A_27 = tpu.memref_squeeze %dma_start3A_26 : memref<1x128xi32, #tpu.memory_space<vmem>> -> memref<128xi32, #tpu.memory_space<vmem>>
    %dma_start3A_28 = arith.constant 0 : i32
    %dma_start3A_29 = arith.constant 0 : i32
    %dma_start3A_30 = tpu.memref_slice %arg4[%dma_start3A_28, %dma_start3A_29] : memref<24576x64xf32, #tpu.memory_space<hbm>> -> memref<24576x64xf32, #tpu.memory_space<hbm>>
    tpu.enqueue_indirect_dma source(%dma_start3A_24 : memref<128x64xf32, #tpu.memory_space<vmem>>) target(%dma_start3A_30 : memref<24576x64xf32, #tpu.memory_space<hbm>>) offsets(%dma_start3A_27 : memref<128xi32, #tpu.memory_space<vmem>>) semaphore(%arg7 : memref<!tpu.dma_semaphore, #tpu.memory_space<semaphore_mem>>)
    %dma_wait3A_31 = arith.constant 1 : i32
    %dma_wait3A_32 = arith.constant 128 : i32
    %dma_wait3A_33 = arith.constant 0 : i32
    %dma_wait3A_34 = tpu.memref_slice %arg6[%dma_wait3A_32, %dma_wait3A_33] : memref<768x64xf32, #tpu.memory_space<vmem>> -> memref<128x64xf32, #tpu.memory_space<vmem>>
    %dma_wait3A_35 = arith.constant 0 : i32
    %dma_wait3A_36 = tpu.memref_slice %arg5[%dma_wait3A_31, %dma_wait3A_35] : memref<6x128xi32, #tpu.memory_space<vmem>> -> memref<1x128xi32, #tpu.memory_space<vmem>>
    %dma_wait3A_37 = tpu.memref_squeeze %dma_wait3A_36 : memref<1x128xi32, #tpu.memory_space<vmem>> -> memref<128xi32, #tpu.memory_space<vmem>>
    %dma_wait3A_38 = arith.constant 0 : i32
    %dma_wait3A_39 = arith.constant 0 : i32
    %dma_wait3A_40 = tpu.memref_slice %arg4[%dma_wait3A_38, %dma_wait3A_39] : memref<24576x64xf32, #tpu.memory_space<hbm>> -> memref<24576x64xf32, #tpu.memory_space<hbm>>
    tpu.wait_indirect_dma semaphore(%arg7 : memref<!tpu.dma_semaphore, #tpu.memory_space<semaphore_mem>>) src(%dma_wait3A_34 : memref<128x64xf32, #tpu.memory_space<vmem>>) dst(%dma_wait3A_40 : memref<24576x64xf32, #tpu.memory_space<hbm>>)
    %dma_start3A_41 = arith.constant 2 : i32
    %dma_start3A_42 = arith.constant 256 : i32
    %dma_start3A_43 = arith.constant 0 : i32
    %dma_start3A_44 = tpu.memref_slice %arg6[%dma_start3A_42, %dma_start3A_43] : memref<768x64xf32, #tpu.memory_space<vmem>> -> memref<128x64xf32, #tpu.memory_space<vmem>>
    %dma_start3A_45 = arith.constant 0 : i32
    %dma_start3A_46 = tpu.memref_slice %arg5[%dma_start3A_41, %dma_start3A_45] : memref<6x128xi32, #tpu.memory_space<vmem>> -> memref<1x128xi32, #tpu.memory_space<vmem>>
    %dma_start3A_47 = tpu.memref_squeeze %dma_start3A_46 : memref<1x128xi32, #tpu.memory_space<vmem>> -> memref<128xi32, #tpu.memory_space<vmem>>
    %dma_start3A_48 = arith.constant 0 : i32
    %dma_start3A_49 = arith.constant 0 : i32
    %dma_start3A_50 = tpu.memref_slice %arg4[%dma_start3A_48, %dma_start3A_49] : memref<24576x64xf32, #tpu.memory_space<hbm>> -> memref<24576x64xf32, #tpu.memory_space<hbm>>
    tpu.enqueue_indirect_dma source(%dma_start3A_44 : memref<128x64xf32, #tpu.memory_space<vmem>>) target(%dma_start3A_50 : memref<24576x64xf32, #tpu.memory_space<hbm>>) offsets(%dma_start3A_47 : memref<128xi32, #tpu.memory_space<vmem>>) semaphore(%arg7 : memref<!tpu.dma_semaphore, #tpu.memory_space<semaphore_mem>>)
    %dma_wait3A_51 = arith.constant 2 : i32
    %dma_wait3A_52 = arith.constant 256 : i32
    %dma_wait3A_53 = arith.constant 0 : i32
    %dma_wait3A_54 = tpu.memref_slice %arg6[%dma_wait3A_52, %dma_wait3A_53] : memref<768x64xf32, #tpu.memory_space<vmem>> -> memref<128x64xf32, #tpu.memory_space<vmem>>
    %dma_wait3A_55 = arith.constant 0 : i32
    %dma_wait3A_56 = tpu.memref_slice %arg5[%dma_wait3A_51, %dma_wait3A_55] : memref<6x128xi32, #tpu.memory_space<vmem>> -> memref<1x128xi32, #tpu.memory_space<vmem>>
    %dma_wait3A_57 = tpu.memref_squeeze %dma_wait3A_56 : memref<1x128xi32, #tpu.memory_space<vmem>> -> memref<128xi32, #tpu.memory_space<vmem>>
    %dma_wait3A_58 = arith.constant 0 : i32
    %dma_wait3A_59 = arith.constant 0 : i32
    %dma_wait3A_60 = tpu.memref_slice %arg4[%dma_wait3A_58, %dma_wait3A_59] : memref<24576x64xf32, #tpu.memory_space<hbm>> -> memref<24576x64xf32, #tpu.memory_space<hbm>>
    tpu.wait_indirect_dma semaphore(%arg7 : memref<!tpu.dma_semaphore, #tpu.memory_space<semaphore_mem>>) src(%dma_wait3A_54 : memref<128x64xf32, #tpu.memory_space<vmem>>) dst(%dma_wait3A_60 : memref<24576x64xf32, #tpu.memory_space<hbm>>)
    %dma_start3A_61 = arith.constant 3 : i32
    %dma_start3A_62 = arith.constant 384 : i32
    %dma_start3A_63 = arith.constant 0 : i32
    %dma_start3A_64 = tpu.memref_slice %arg6[%dma_start3A_62, %dma_start3A_63] : memref<768x64xf32, #tpu.memory_space<vmem>> -> memref<128x64xf32, #tpu.memory_space<vmem>>
    %dma_start3A_65 = arith.constant 0 : i32
    %dma_start3A_66 = tpu.memref_slice %arg5[%dma_start3A_61, %dma_start3A_65] : memref<6x128xi32, #tpu.memory_space<vmem>> -> memref<1x128xi32, #tpu.memory_space<vmem>>
    %dma_start3A_67 = tpu.memref_squeeze %dma_start3A_66 : memref<1x128xi32, #tpu.memory_space<vmem>> -> memref<128xi32, #tpu.memory_space<vmem>>
    %dma_start3A_68 = arith.constant 0 : i32
    %dma_start3A_69 = arith.constant 0 : i32
    %dma_start3A_70 = tpu.memref_slice %arg4[%dma_start3A_68, %dma_start3A_69] : memref<24576x64xf32, #tpu.memory_space<hbm>> -> memref<24576x64xf32, #tpu.memory_space<hbm>>
    tpu.enqueue_indirect_dma source(%dma_start3A_64 : memref<128x64xf32, #tpu.memory_space<vmem>>) target(%dma_start3A_70 : memref<24576x64xf32, #tpu.memory_space<hbm>>) offsets(%dma_start3A_67 : memref<128xi32, #tpu.memory_space<vmem>>) semaphore(%arg7 : memref<!tpu.dma_semaphore, #tpu.memory_space<semaphore_mem>>)
    %dma_wait3A_71 = arith.constant 3 : i32
    %dma_wait3A_72 = arith.constant 384 : i32
    %dma_wait3A_73 = arith.constant 0 : i32
    %dma_wait3A_74 = tpu.memref_slice %arg6[%dma_wait3A_72, %dma_wait3A_73] : memref<768x64xf32, #tpu.memory_space<vmem>> -> memref<128x64xf32, #tpu.memory_space<vmem>>
    %dma_wait3A_75 = arith.constant 0 : i32
    %dma_wait3A_76 = tpu.memref_slice %arg5[%dma_wait3A_71, %dma_wait3A_75] : memref<6x128xi32, #tpu.memory_space<vmem>> -> memref<1x128xi32, #tpu.memory_space<vmem>>
    %dma_wait3A_77 = tpu.memref_squeeze %dma_wait3A_76 : memref<1x128xi32, #tpu.memory_space<vmem>> -> memref<128xi32, #tpu.memory_space<vmem>>
    %dma_wait3A_78 = arith.constant 0 : i32
    %dma_wait3A_79 = arith.constant 0 : i32
    %dma_wait3A_80 = tpu.memref_slice %arg4[%dma_wait3A_78, %dma_wait3A_79] : memref<24576x64xf32, #tpu.memory_space<hbm>> -> memref<24576x64xf32, #tpu.memory_space<hbm>>
    tpu.wait_indirect_dma semaphore(%arg7 : memref<!tpu.dma_semaphore, #tpu.memory_space<semaphore_mem>>) src(%dma_wait3A_74 : memref<128x64xf32, #tpu.memory_space<vmem>>) dst(%dma_wait3A_80 : memref<24576x64xf32, #tpu.memory_space<hbm>>)
    %dma_start3A_81 = arith.constant 4 : i32
    %dma_start3A_82 = arith.constant 512 : i32
    %dma_start3A_83 = arith.constant 0 : i32
    %dma_start3A_84 = tpu.memref_slice %arg6[%dma_start3A_82, %dma_start3A_83] : memref<768x64xf32, #tpu.memory_space<vmem>> -> memref<128x64xf32, #tpu.memory_space<vmem>>
    %dma_start3A_85 = arith.constant 0 : i32
    %dma_start3A_86 = tpu.memref_slice %arg5[%dma_start3A_81, %dma_start3A_85] : memref<6x128xi32, #tpu.memory_space<vmem>> -> memref<1x128xi32, #tpu.memory_space<vmem>>
    %dma_start3A_87 = tpu.memref_squeeze %dma_start3A_86 : memref<1x128xi32, #tpu.memory_space<vmem>> -> memref<128xi32, #tpu.memory_space<vmem>>
    %dma_start3A_88 = arith.constant 0 : i32
    %dma_start3A_89 = arith.constant 0 : i32
    %dma_start3A_90 = tpu.memref_slice %arg4[%dma_start3A_88, %dma_start3A_89] : memref<24576x64xf32, #tpu.memory_space<hbm>> -> memref<24576x64xf32, #tpu.memory_space<hbm>>
    tpu.enqueue_indirect_dma source(%dma_start3A_84 : memref<128x64xf32, #tpu.memory_space<vmem>>) target(%dma_start3A_90 : memref<24576x64xf32, #tpu.memory_space<hbm>>) offsets(%dma_start3A_87 : memref<128xi32, #tpu.memory_space<vmem>>) semaphore(%arg7 : memref<!tpu.dma_semaphore, #tpu.memory_space<semaphore_mem>>)
    %dma_wait3A_91 = arith.constant 4 : i32
    %dma_wait3A_92 = arith.constant 512 : i32
    %dma_wait3A_93 = arith.constant 0 : i32
    %dma_wait3A_94 = tpu.memref_slice %arg6[%dma_wait3A_92, %dma_wait3A_93] : memref<768x64xf32, #tpu.memory_space<vmem>> -> memref<128x64xf32, #tpu.memory_space<vmem>>
    %dma_wait3A_95 = arith.constant 0 : i32
    %dma_wait3A_96 = tpu.memref_slice %arg5[%dma_wait3A_91, %dma_wait3A_95] : memref<6x128xi32, #tpu.memory_space<vmem>> -> memref<1x128xi32, #tpu.memory_space<vmem>>
    %dma_wait3A_97 = tpu.memref_squeeze %dma_wait3A_96 : memref<1x128xi32, #tpu.memory_space<vmem>> -> memref<128xi32, #tpu.memory_space<vmem>>
    %dma_wait3A_98 = arith.constant 0 : i32
    %dma_wait3A_99 = arith.constant 0 : i32
    %dma_wait3A_100 = tpu.memref_slice %arg4[%dma_wait3A_98, %dma_wait3A_99] : memref<24576x64xf32, #tpu.memory_space<hbm>> -> memref<24576x64xf32, #tpu.memory_space<hbm>>
    tpu.wait_indirect_dma semaphore(%arg7 : memref<!tpu.dma_semaphore, #tpu.memory_space<semaphore_mem>>) src(%dma_wait3A_94 : memref<128x64xf32, #tpu.memory_space<vmem>>) dst(%dma_wait3A_100 : memref<24576x64xf32, #tpu.memory_space<hbm>>)
    %dma_start3A_101 = arith.constant 5 : i32
    %dma_start3A_102 = arith.constant 640 : i32
    %dma_start3A_103 = arith.constant 0 : i32
    %dma_start3A_104 = tpu.memref_slice %arg6[%dma_start3A_102, %dma_start3A_103] : memref<768x64xf32, #tpu.memory_space<vmem>> -> memref<128x64xf32, #tpu.memory_space<vmem>>
    %dma_start3A_105 = arith.constant 0 : i32
    %dma_start3A_106 = tpu.memref_slice %arg5[%dma_start3A_101, %dma_start3A_105] : memref<6x128xi32, #tpu.memory_space<vmem>> -> memref<1x128xi32, #tpu.memory_space<vmem>>
    %dma_start3A_107 = tpu.memref_squeeze %dma_start3A_106 : memref<1x128xi32, #tpu.memory_space<vmem>> -> memref<128xi32, #tpu.memory_space<vmem>>
    %dma_start3A_108 = arith.constant 0 : i32
    %dma_start3A_109 = arith.constant 0 : i32
    %dma_start3A_110 = tpu.memref_slice %arg4[%dma_start3A_108, %dma_start3A_109] : memref<24576x64xf32, #tpu.memory_space<hbm>> -> memref<24576x64xf32, #tpu.memory_space<hbm>>
    tpu.enqueue_indirect_dma source(%dma_start3A_104 : memref<128x64xf32, #tpu.memory_space<vmem>>) target(%dma_start3A_110 : memref<24576x64xf32, #tpu.memory_space<hbm>>) offsets(%dma_start3A_107 : memref<128xi32, #tpu.memory_space<vmem>>) semaphore(%arg7 : memref<!tpu.dma_semaphore, #tpu.memory_space<semaphore_mem>>)
    %dma_wait3A_111 = arith.constant 5 : i32
    %dma_wait3A_112 = arith.constant 640 : i32
    %dma_wait3A_113 = arith.constant 0 : i32
    %dma_wait3A_114 = tpu.memref_slice %arg6[%dma_wait3A_112, %dma_wait3A_113] : memref<768x64xf32, #tpu.memory_space<vmem>> -> memref<128x64xf32, #tpu.memory_space<vmem>>
    %dma_wait3A_115 = arith.constant 0 : i32
    %dma_wait3A_116 = tpu.memref_slice %arg5[%dma_wait3A_111, %dma_wait3A_115] : memref<6x128xi32, #tpu.memory_space<vmem>> -> memref<1x128xi32, #tpu.memory_space<vmem>>
    %dma_wait3A_117 = tpu.memref_squeeze %dma_wait3A_116 : memref<1x128xi32, #tpu.memory_space<vmem>> -> memref<128xi32, #tpu.memory_space<vmem>>
    %dma_wait3A_118 = arith.constant 0 : i32
    %dma_wait3A_119 = arith.constant 0 : i32
    %dma_wait3A_120 = tpu.memref_slice %arg4[%dma_wait3A_118, %dma_wait3A_119] : memref<24576x64xf32, #tpu.memory_space<hbm>> -> memref<24576x64xf32, #tpu.memory_space<hbm>>
    tpu.wait_indirect_dma semaphore(%arg7 : memref<!tpu.dma_semaphore, #tpu.memory_space<semaphore_mem>>) src(%dma_wait3A_114 : memref<128x64xf32, #tpu.memory_space<vmem>>) dst(%dma_wait3A_120 : memref<24576x64xf32, #tpu.memory_space<hbm>>)
    return
  }
}

module attributes {stable_mosaic.version = 14 : i64} {
  func.func @_rank_body(%arg0: i32, %arg1: i32, %arg2: memref<1x1x2048xf32, #tpu.memory_space<vmem>>, %arg3: memref<1x2048x1xf32, #tpu.memory_space<vmem>>, %arg4: memref<1x1x2048xi32, #tpu.memory_space<vmem>>) attributes {dimension_semantics = [#tpu.dimension_semantics<arbitrary>, #tpu.dimension_semantics<arbitrary>], iteration_bounds = array<i64: 12, 1>, scalar_prefetch = 0 : i64, scratch_operands = 0 : i64, tpu.core_type = #tpu.core_type<tc>, window_params = [{transform_indices = @transform_0, window_bounds = array<i64: 1, 1, 2048>}, {transform_indices = @transform_1, window_bounds = array<i64: 1, 2048, 1>}, {transform_indices = @transform_2, window_bounds = array<i64: 1, 1, 2048>}]} {
    %get3A = arith.constant 0 : index
    %get3A_0 = arith.constant 0 : index
    %get3A_1 = arith.constant 0 : index
    %get3A_2 = vector.load %arg2[%get3A, %get3A_0, %get3A_1] : memref<1x1x2048xf32, #tpu.memory_space<vmem>>, vector<1x1x2048xf32>
    %get3A_3 = vector.shape_cast %get3A_2 : vector<1x1x2048xf32> to vector<1x2048xf32>
    %get3A_4 = arith.constant 0 : index
    %get3A_5 = arith.constant 0 : index
    %get3A_6 = arith.constant 0 : index
    %get3A_7 = vector.load %arg3[%get3A_4, %get3A_5, %get3A_6] : memref<1x2048x1xf32, #tpu.memory_space<vmem>>, vector<1x2048x1xf32>
    %get3A_8 = vector.shape_cast %get3A_7 : vector<1x2048x1xf32> to vector<2048x1xf32>
    %gt3A = vector.broadcast %get3A_3 : vector<1x2048xf32> to vector<2048x2048xf32>
    %gt3A_9 = vector.broadcast %get3A_8 : vector<2048x1xf32> to vector<2048x2048xf32>
    %gt3A_10 = arith.cmpf ogt, %gt3A, %gt3A_9 : vector<2048x2048xf32>
    %eq3A = vector.broadcast %get3A_3 : vector<1x2048xf32> to vector<2048x2048xf32>
    %eq3A_11 = vector.broadcast %get3A_8 : vector<2048x1xf32> to vector<2048x2048xf32>
    %eq3A_12 = arith.cmpf oeq, %eq3A, %eq3A_11 : vector<2048x2048xf32>
    %iota3A = tpu.iota {dimensions = array<i32: 1>} : vector<2048x2048xi32>
    %iota3A_13 = tpu.iota {dimensions = array<i32: 0>} : vector<2048x2048xi32>
    %mul3A = arith.constant 2048 : i32
    %mul3A_14 = arith.muli %arg1, %mul3A : i32
    %add3A = vector.broadcast %mul3A_14 : i32 to vector<2048x2048xi32>
    %add3A_15 = arith.addi %iota3A_13, %add3A : vector<2048x2048xi32>
    %lt3A = arith.cmpi slt, %iota3A, %add3A_15 : vector<2048x2048xi32>
    %and3A = arith.andi %eq3A_12, %lt3A : vector<2048x2048xi1>
    %or3A = arith.ori %gt3A_10, %and3A : vector<2048x2048xi1>
    %jit3A = arith.constant 1 : i32
    %jit3A_16 = arith.constant 0 : i32
    %broadcast_in_dim3A = vector.broadcast %jit3A : i32 to vector<2048x2048xi32>
    %broadcast_in_dim3A_17 = vector.broadcast %jit3A_16 : i32 to vector<2048x2048xi32>
    %select_n3A = arith.select %or3A, %broadcast_in_dim3A, %broadcast_in_dim3A_17 : vector<2048x2048xi1>, vector<2048x2048xi32>
    %reduce_sum3A = arith.constant dense<0> : vector<2048xi32>
    %reduce_sum3A_18 = vector.multi_reduction <add>, %select_n3A, %reduce_sum3A [1] : vector<2048x2048xi32> to vector<2048xi32>
    %mul3A_19 = arith.constant 12 : i32
    %mul3A_20 = vector.broadcast %mul3A_19 : i32 to vector<2048xi32>
    %mul3A_21 = arith.muli %reduce_sum3A_18, %mul3A_20 : vector<2048xi32>
    %add3A_22 = vector.broadcast %arg0 : i32 to vector<2048xi32>
    %add3A_23 = arith.addi %mul3A_21, %add3A_22 : vector<2048xi32>
    %broadcast_in_dim3A_24 = vector.shape_cast %add3A_23 : vector<2048xi32> to vector<1x2048xi32>
    %swap3A = arith.constant 0 : index
    %swap3A_25 = arith.constant 0 : index
    %swap3A_26 = arith.constant 0 : index
    %swap3A_27 = vector.load %arg4[%swap3A, %swap3A_25, %swap3A_26] : memref<1x1x2048xi32, #tpu.memory_space<vmem>>, vector<1x1x2048xi32>
    %swap3A_28 = vector.shape_cast %swap3A_27 : vector<1x1x2048xi32> to vector<1x2048xi32>
    %swap3A_29 = vector.shape_cast %broadcast_in_dim3A_24 : vector<1x2048xi32> to vector<1x1x2048xi32>
    tpu.vector_store %arg4[%swap3A, %swap3A_25, %swap3A_26], %swap3A_29 {strides = array<i32>} : memref<1x1x2048xi32, #tpu.memory_space<vmem>>, vector<1x1x2048xi32>,
    return
  }
  func.func @transform_0(%arg0: i32, %arg1: i32) -> (i32, i32, i32) {
    %c0_i32 = arith.constant 0 : i32
    %c0_i32_0 = arith.constant 0 : i32
    %c0_i32_1 = arith.constant 0 : i32
    return %arg0, %c0_i32, %c0_i32_0 : i32, i32, i32
  }
  func.func @transform_1(%arg0: i32, %arg1: i32) -> (i32, i32, i32) {
    %c0_i32 = arith.constant 0 : i32
    %c0_i32_0 = arith.constant 0 : i32
    return %arg0, %arg1, %c0_i32 : i32, i32, i32
  }
  func.func @transform_2(%arg0: i32, %arg1: i32) -> (i32, i32, i32) {
    %mul3A = arith.constant 1 : i32
    %mul3A_0 = arith.muli %arg0, %mul3A : i32
    %add3A = arith.addi %mul3A_0, %arg1 : i32
    %c0_i32 = arith.constant 0 : i32
    %c0_i32_1 = arith.constant 0 : i32
    %c0_i32_2 = arith.constant 0 : i32
    return %add3A, %c0_i32, %c0_i32_1 : i32, i32, i32
  }
}

module attributes {stable_mosaic.version = 14 : i64} {
  func.func @_attn_body(%arg0: i32, %arg1: i32, %arg2: memref<1x64x2048xf32, #tpu.memory_space<vmem>>, %arg3: memref<1x64x2048xf32, #tpu.memory_space<vmem>>, %arg4: memref<1x64x2048xf32, #tpu.memory_space<vmem>>, %arg5: memref<1x2048x64xf32, #tpu.memory_space<vmem>>, %arg6: memref<1x1x2048xf32, #tpu.memory_space<vmem>>) attributes {dimension_semantics = [#tpu.dimension_semantics<arbitrary>, #tpu.dimension_semantics<arbitrary>], iteration_bounds = array<i64: 12, 1>, scalar_prefetch = 0 : i64, scratch_operands = 0 : i64, tpu.core_type = #tpu.core_type<tc>, window_params = [{transform_indices = @transform_0, window_bounds = array<i64: 1, 64, 2048>}, {transform_indices = @transform_1, window_bounds = array<i64: 1, 64, 2048>}, {transform_indices = @transform_2, window_bounds = array<i64: 1, 64, 2048>}, {transform_indices = @transform_3, window_bounds = array<i64: 1, 2048, 64>}, {transform_indices = @transform_4, window_bounds = array<i64: 1, 1, 2048>}]} {
    %get3A = arith.constant 0 : index
    %get3A_0 = arith.constant 0 : index
    %get3A_1 = arith.constant 0 : index
    %get3A_2 = vector.load %arg2[%get3A, %get3A_0, %get3A_1] : memref<1x64x2048xf32, #tpu.memory_space<vmem>>, vector<1x64x2048xf32>
    %get3A_3 = vector.shape_cast %get3A_2 : vector<1x64x2048xf32> to vector<64x2048xf32>
    %get3A_4 = arith.constant 0 : index
    %get3A_5 = arith.constant 0 : index
    %get3A_6 = arith.constant 0 : index
    %get3A_7 = vector.load %arg3[%get3A_4, %get3A_5, %get3A_6] : memref<1x64x2048xf32, #tpu.memory_space<vmem>>, vector<1x64x2048xf32>
    %get3A_8 = vector.shape_cast %get3A_7 : vector<1x64x2048xf32> to vector<64x2048xf32>
    %get3A_9 = arith.constant 0 : index
    %get3A_10 = arith.constant 0 : index
    %get3A_11 = arith.constant 0 : index
    %get3A_12 = vector.load %arg4[%get3A_9, %get3A_10, %get3A_11] : memref<1x64x2048xf32, #tpu.memory_space<vmem>>, vector<1x64x2048xf32>
    %get3A_13 = vector.shape_cast %get3A_12 : vector<1x64x2048xf32> to vector<64x2048xf32>
    %dot_general3A = arith.constant dense<0.000000e+00> : vector<2048x2048xf32>
    %dot_general3A_14 = tpu.matmul %get3A_8, %get3A_3, %dot_general3A {dimension_numbers = #tpu.dot_dimension_numbers<[0], [0], [1], [1], [0, 1, 1, 1], [], []>, transpose_lhs_hint = false} : vector<64x2048xf32>, vector<64x2048xf32>, vector<2048x2048xf32> -> vector<2048x2048xf32>
    %broadcast_in_dim3A = arith.constant 0.000000e+00 : f32
    %broadcast_in_dim3A_15 = vector.broadcast %broadcast_in_dim3A : f32 to vector<8x2048xf32>
    %slice3A = vector.extract_strided_slice %dot_general3A_14 {offsets = [0, 0], sizes = [8, 2048], strides = [1, 1]} : vector<2048x2048xf32> to vector<8x2048xf32>
    %add3A = arith.addf %broadcast_in_dim3A_15, %slice3A : vector<8x2048xf32>
    %slice3A_16 = vector.extract_strided_slice %dot_general3A_14 {offsets = [8, 0], sizes = [8, 2048], strides = [1, 1]} : vector<2048x2048xf32> to vector<8x2048xf32>
    %add3A_17 = arith.addf %add3A, %slice3A_16 : vector<8x2048xf32>
    %slice3A_18 = vector.extract_strided_slice %dot_general3A_14 {offsets = [16, 0], sizes = [8, 2048], strides = [1, 1]} : vector<2048x2048xf32> to vector<8x2048xf32>
    %add3A_19 = arith.addf %add3A_17, %slice3A_18 : vector<8x2048xf32>
    %slice3A_20 = vector.extract_strided_slice %dot_general3A_14 {offsets = [24, 0], sizes = [8, 2048], strides = [1, 1]} : vector<2048x2048xf32> to vector<8x2048xf32>
    %add3A_21 = arith.addf %add3A_19, %slice3A_20 : vector<8x2048xf32>
    %slice3A_22 = vector.extract_strided_slice %dot_general3A_14 {offsets = [32, 0], sizes = [8, 2048], strides = [1, 1]} : vector<2048x2048xf32> to vector<8x2048xf32>
    %add3A_23 = arith.addf %add3A_21, %slice3A_22 : vector<8x2048xf32>
    %slice3A_24 = vector.extract_strided_slice %dot_general3A_14 {offsets = [40, 0], sizes = [8, 2048], strides = [1, 1]} : vector<2048x2048xf32> to vector<8x2048xf32>
    %add3A_25 = arith.addf %add3A_23, %slice3A_24 : vector<8x2048xf32>
    %slice3A_26 = vector.extract_strided_slice %dot_general3A_14 {offsets = [48, 0], sizes = [8, 2048], strides = [1, 1]} : vector<2048x2048xf32> to vector<8x2048xf32>
    %add3A_27 = arith.addf %add3A_25, %slice3A_26 : vector<8x2048xf32>
    %slice3A_28 = vector.extract_strided_slice %dot_general3A_14 {offsets = [56, 0], sizes = [8, 2048], strides = [1, 1]} : vector<2048x2048xf32> to vector<8x2048xf32>
    %add3A_29 = arith.addf %add3A_27, %slice3A_28 : vector<8x2048xf32>
    %slice3A_30 = vector.extract_strided_slice %dot_general3A_14 {offsets = [64, 0], sizes = [8, 2048], strides = [1, 1]} : vector<2048x2048xf32> to vector<8x2048xf32>
    %add3A_31 = arith.addf %add3A_29, %slice3A_30 : vector<8x2048xf32>
    %slice3A_32 = vector.extract_strided_slice %dot_general3A_14 {offsets = [72, 0], sizes = [8, 2048], strides = [1, 1]} : vector<2048x2048xf32> to vector<8x2048xf32>
    %add3A_33 = arith.addf %add3A_31, %slice3A_32 : vector<8x2048xf32>
    %slice3A_34 = vector.extract_strided_slice %dot_general3A_14 {offsets = [80, 0], sizes = [8, 2048], strides = [1, 1]} : vector<2048x2048xf32> to vector<8x2048xf32>
    %add3A_35 = arith.addf %add3A_33, %slice3A_34 : vector<8x2048xf32>
    %slice3A_36 = vector.extract_strided_slice %dot_general3A_14 {offsets = [88, 0], sizes = [8, 2048], strides = [1, 1]} : vector<2048x2048xf32> to vector<8x2048xf32>
    %add3A_37 = arith.addf %add3A_35, %slice3A_36 : vector<8x2048xf32>
    %slice3A_38 = vector.extract_strided_slice %dot_general3A_14 {offsets = [96, 0], sizes = [8, 2048], strides = [1, 1]} : vector<2048x2048xf32> to vector<8x2048xf32>
    %add3A_39 = arith.addf %add3A_37, %slice3A_38 : vector<8x2048xf32>
    %slice3A_40 = vector.extract_strided_slice %dot_general3A_14 {offsets = [104, 0], sizes = [8, 2048], strides = [1, 1]} : vector<2048x2048xf32> to vector<8x2048xf32>
    %add3A_41 = arith.addf %add3A_39, %slice3A_40 : vector<8x2048xf32>
    %slice3A_42 = vector.extract_strided_slice %dot_general3A_14 {offsets = [112, 0], sizes = [8, 2048], strides = [1, 1]} : vector<2048x2048xf32> to vector<8x2048xf32>
    %add3A_43 = arith.addf %add3A_41, %slice3A_42 : vector<8x2048xf32>
    %slice3A_44 = vector.extract_strided_slice %dot_general3A_14 {offsets = [120, 0], sizes = [8, 2048], strides = [1, 1]} : vector<2048x2048xf32> to vector<8x2048xf32>
    %add3A_45 = arith.addf %add3A_43, %slice3A_44 : vector<8x2048xf32>
    %slice3A_46 = vector.extract_strided_slice %dot_general3A_14 {offsets = [128, 0], sizes = [8, 2048], strides = [1, 1]} : vector<2048x2048xf32> to vector<8x2048xf32>
    %add3A_47 = arith.addf %add3A_45, %slice3A_46 : vector<8x2048xf32>
    %slice3A_48 = vector.extract_strided_slice %dot_general3A_14 {offsets = [136, 0], sizes = [8, 2048], strides = [1, 1]} : vector<2048x2048xf32> to vector<8x2048xf32>
    %add3A_49 = arith.addf %add3A_47, %slice3A_48 : vector<8x2048xf32>
    %slice3A_50 = vector.extract_strided_slice %dot_general3A_14 {offsets = [144, 0], sizes = [8, 2048], strides = [1, 1]} : vector<2048x2048xf32> to vector<8x2048xf32>
    %add3A_51 = arith.addf %add3A_49, %slice3A_50 : vector<8x2048xf32>
    %slice3A_52 = vector.extract_strided_slice %dot_general3A_14 {offsets = [152, 0], sizes = [8, 2048], strides = [1, 1]} : vector<2048x2048xf32> to vector<8x2048xf32>
    %add3A_53 = arith.addf %add3A_51, %slice3A_52 : vector<8x2048xf32>
    %slice3A_54 = vector.extract_strided_slice %dot_general3A_14 {offsets = [160, 0], sizes = [8, 2048], strides = [1, 1]} : vector<2048x2048xf32> to vector<8x2048xf32>
    %add3A_55 = arith.addf %add3A_53, %slice3A_54 : vector<8x2048xf32>
    %slice3A_56 = vector.extract_strided_slice %dot_general3A_14 {offsets = [168, 0], sizes = [8, 2048], strides = [1, 1]} : vector<2048x2048xf32> to vector<8x2048xf32>
    %add3A_57 = arith.addf %add3A_55, %slice3A_56 : vector<8x2048xf32>
    %slice3A_58 = vector.extract_strided_slice %dot_general3A_14 {offsets = [176, 0], sizes = [8, 2048], strides = [1, 1]} : vector<2048x2048xf32> to vector<8x2048xf32>
    %add3A_59 = arith.addf %add3A_57, %slice3A_58 : vector<8x2048xf32>
    %slice3A_60 = vector.extract_strided_slice %dot_general3A_14 {offsets = [184, 0], sizes = [8, 2048], strides = [1, 1]} : vector<2048x2048xf32> to vector<8x2048xf32>
    %add3A_61 = arith.addf %add3A_59, %slice3A_60 : vector<8x2048xf32>
    %slice3A_62 = vector.extract_strided_slice %dot_general3A_14 {offsets = [192, 0], sizes = [8, 2048], strides = [1, 1]} : vector<2048x2048xf32> to vector<8x2048xf32>
    %add3A_63 = arith.addf %add3A_61, %slice3A_62 : vector<8x2048xf32>
    %slice3A_64 = vector.extract_strided_slice %dot_general3A_14 {offsets = [200, 0], sizes = [8, 2048], strides = [1, 1]} : vector<2048x2048xf32> to vector<8x2048xf32>
    %add3A_65 = arith.addf %add3A_63, %slice3A_64 : vector<8x2048xf32>
    %slice3A_66 = vector.extract_strided_slice %dot_general3A_14 {offsets = [208, 0], sizes = [8, 2048], strides = [1, 1]} : vector<2048x2048xf32> to vector<8x2048xf32>
    %add3A_67 = arith.addf %add3A_65, %slice3A_66 : vector<8x2048xf32>
    %slice3A_68 = vector.extract_strided_slice %dot_general3A_14 {offsets = [216, 0], sizes = [8, 2048], strides = [1, 1]} : vector<2048x2048xf32> to vector<8x2048xf32>
    %add3A_69 = arith.addf %add3A_67, %slice3A_68 : vector<8x2048xf32>
    %slice3A_70 = vector.extract_strided_slice %dot_general3A_14 {offsets = [224, 0], sizes = [8, 2048], strides = [1, 1]} : vector<2048x2048xf32> to vector<8x2048xf32>
    %add3A_71 = arith.addf %add3A_69, %slice3A_70 : vector<8x2048xf32>
    %slice3A_72 = vector.extract_strided_slice %dot_general3A_14 {offsets = [232, 0], sizes = [8, 2048], strides = [1, 1]} : vector<2048x2048xf32> to vector<8x2048xf32>
    %add3A_73 = arith.addf %add3A_71, %slice3A_72 : vector<8x2048xf32>
    %slice3A_74 = vector.extract_strided_slice %dot_general3A_14 {offsets = [240, 0], sizes = [8, 2048], strides = [1, 1]} : vector<2048x2048xf32> to vector<8x2048xf32>
    %add3A_75 = arith.addf %add3A_73, %slice3A_74 : vector<8x2048xf32>
    %slice3A_76 = vector.extract_strided_slice %dot_general3A_14 {offsets = [248, 0], sizes = [8, 2048], strides = [1, 1]} : vector<2048x2048xf32> to vector<8x2048xf32>
    %add3A_77 = arith.addf %add3A_75, %slice3A_76 : vector<8x2048xf32>
    %slice3A_78 = vector.extract_strided_slice %dot_general3A_14 {offsets = [256, 0], sizes = [8, 2048], strides = [1, 1]} : vector<2048x2048xf32> to vector<8x2048xf32>
    %add3A_79 = arith.addf %add3A_77, %slice3A_78 : vector<8x2048xf32>
    %slice3A_80 = vector.extract_strided_slice %dot_general3A_14 {offsets = [264, 0], sizes = [8, 2048], strides = [1, 1]} : vector<2048x2048xf32> to vector<8x2048xf32>
    %add3A_81 = arith.addf %add3A_79, %slice3A_80 : vector<8x2048xf32>
    %slice3A_82 = vector.extract_strided_slice %dot_general3A_14 {offsets = [272, 0], sizes = [8, 2048], strides = [1, 1]} : vector<2048x2048xf32> to vector<8x2048xf32>
    %add3A_83 = arith.addf %add3A_81, %slice3A_82 : vector<8x2048xf32>
    %slice3A_84 = vector.extract_strided_slice %dot_general3A_14 {offsets = [280, 0], sizes = [8, 2048], strides = [1, 1]} : vector<2048x2048xf32> to vector<8x2048xf32>
    %add3A_85 = arith.addf %add3A_83, %slice3A_84 : vector<8x2048xf32>
    %slice3A_86 = vector.extract_strided_slice %dot_general3A_14 {offsets = [288, 0], sizes = [8, 2048], strides = [1, 1]} : vector<2048x2048xf32> to vector<8x2048xf32>
    %add3A_87 = arith.addf %add3A_85, %slice3A_86 : vector<8x2048xf32>
    %slice3A_88 = vector.extract_strided_slice %dot_general3A_14 {offsets = [296, 0], sizes = [8, 2048], strides = [1, 1]} : vector<2048x2048xf32> to vector<8x2048xf32>
    %add3A_89 = arith.addf %add3A_87, %slice3A_88 : vector<8x2048xf32>
    %slice3A_90 = vector.extract_strided_slice %dot_general3A_14 {offsets = [304, 0], sizes = [8, 2048], strides = [1, 1]} : vector<2048x2048xf32> to vector<8x2048xf32>
    %add3A_91 = arith.addf %add3A_89, %slice3A_90 : vector<8x2048xf32>
    %slice3A_92 = vector.extract_strided_slice %dot_general3A_14 {offsets = [312, 0], sizes = [8, 2048], strides = [1, 1]} : vector<2048x2048xf32> to vector<8x2048xf32>
    %add3A_93 = arith.addf %add3A_91, %slice3A_92 : vector<8x2048xf32>
    %slice3A_94 = vector.extract_strided_slice %dot_general3A_14 {offsets = [320, 0], sizes = [8, 2048], strides = [1, 1]} : vector<2048x2048xf32> to vector<8x2048xf32>
    %add3A_95 = arith.addf %add3A_93, %slice3A_94 : vector<8x2048xf32>
    %slice3A_96 = vector.extract_strided_slice %dot_general3A_14 {offsets = [328, 0], sizes = [8, 2048], strides = [1, 1]} : vector<2048x2048xf32> to vector<8x2048xf32>
    %add3A_97 = arith.addf %add3A_95, %slice3A_96 : vector<8x2048xf32>
    %slice3A_98 = vector.extract_strided_slice %dot_general3A_14 {offsets = [336, 0], sizes = [8, 2048], strides = [1, 1]} : vector<2048x2048xf32> to vector<8x2048xf32>
    %add3A_99 = arith.addf %add3A_97, %slice3A_98 : vector<8x2048xf32>
    %slice3A_100 = vector.extract_strided_slice %dot_general3A_14 {offsets = [344, 0], sizes = [8, 2048], strides = [1, 1]} : vector<2048x2048xf32> to vector<8x2048xf32>
    %add3A_101 = arith.addf %add3A_99, %slice3A_100 : vector<8x2048xf32>
    %slice3A_102 = vector.extract_strided_slice %dot_general3A_14 {offsets = [352, 0], sizes = [8, 2048], strides = [1, 1]} : vector<2048x2048xf32> to vector<8x2048xf32>
    %add3A_103 = arith.addf %add3A_101, %slice3A_102 : vector<8x2048xf32>
    %slice3A_104 = vector.extract_strided_slice %dot_general3A_14 {offsets = [360, 0], sizes = [8, 2048], strides = [1, 1]} : vector<2048x2048xf32> to vector<8x2048xf32>
    %add3A_105 = arith.addf %add3A_103, %slice3A_104 : vector<8x2048xf32>
    %slice3A_106 = vector.extract_strided_slice %dot_general3A_14 {offsets = [368, 0], sizes = [8, 2048], strides = [1, 1]} : vector<2048x2048xf32> to vector<8x2048xf32>
    %add3A_107 = arith.addf %add3A_105, %slice3A_106 : vector<8x2048xf32>
    %slice3A_108 = vector.extract_strided_slice %dot_general3A_14 {offsets = [376, 0], sizes = [8, 2048], strides = [1, 1]} : vector<2048x2048xf32> to vector<8x2048xf32>
    %add3A_109 = arith.addf %add3A_107, %slice3A_108 : vector<8x2048xf32>
    %slice3A_110 = vector.extract_strided_slice %dot_general3A_14 {offsets = [384, 0], sizes = [8, 2048], strides = [1, 1]} : vector<2048x2048xf32> to vector<8x2048xf32>
    %add3A_111 = arith.addf %add3A_109, %slice3A_110 : vector<8x2048xf32>
    %slice3A_112 = vector.extract_strided_slice %dot_general3A_14 {offsets = [392, 0], sizes = [8, 2048], strides = [1, 1]} : vector<2048x2048xf32> to vector<8x2048xf32>
    %add3A_113 = arith.addf %add3A_111, %slice3A_112 : vector<8x2048xf32>
    %slice3A_114 = vector.extract_strided_slice %dot_general3A_14 {offsets = [400, 0], sizes = [8, 2048], strides = [1, 1]} : vector<2048x2048xf32> to vector<8x2048xf32>
    %add3A_115 = arith.addf %add3A_113, %slice3A_114 : vector<8x2048xf32>
    %slice3A_116 = vector.extract_strided_slice %dot_general3A_14 {offsets = [408, 0], sizes = [8, 2048], strides = [1, 1]} : vector<2048x2048xf32> to vector<8x2048xf32>
    %add3A_117 = arith.addf %add3A_115, %slice3A_116 : vector<8x2048xf32>
    %slice3A_118 = vector.extract_strided_slice %dot_general3A_14 {offsets = [416, 0], sizes = [8, 2048], strides = [1, 1]} : vector<2048x2048xf32> to vector<8x2048xf32>
    %add3A_119 = arith.addf %add3A_117, %slice3A_118 : vector<8x2048xf32>
    %slice3A_120 = vector.extract_strided_slice %dot_general3A_14 {offsets = [424, 0], sizes = [8, 2048], strides = [1, 1]} : vector<2048x2048xf32> to vector<8x2048xf32>
    %add3A_121 = arith.addf %add3A_119, %slice3A_120 : vector<8x2048xf32>
    %slice3A_122 = vector.extract_strided_slice %dot_general3A_14 {offsets = [432, 0], sizes = [8, 2048], strides = [1, 1]} : vector<2048x2048xf32> to vector<8x2048xf32>
    %add3A_123 = arith.addf %add3A_121, %slice3A_122 : vector<8x2048xf32>
    %slice3A_124 = vector.extract_strided_slice %dot_general3A_14 {offsets = [440, 0], sizes = [8, 2048], strides = [1, 1]} : vector<2048x2048xf32> to vector<8x2048xf32>
    %add3A_125 = arith.addf %add3A_123, %slice3A_124 : vector<8x2048xf32>
    %slice3A_126 = vector.extract_strided_slice %dot_general3A_14 {offsets = [448, 0], sizes = [8, 2048], strides = [1, 1]} : vector<2048x2048xf32> to vector<8x2048xf32>
    %add3A_127 = arith.addf %add3A_125, %slice3A_126 : vector<8x2048xf32>
    %slice3A_128 = vector.extract_strided_slice %dot_general3A_14 {offsets = [456, 0], sizes = [8, 2048], strides = [1, 1]} : vector<2048x2048xf32> to vector<8x2048xf32>
    %add3A_129 = arith.addf %add3A_127, %slice3A_128 : vector<8x2048xf32>
    %slice3A_130 = vector.extract_strided_slice %dot_general3A_14 {offsets = [464, 0], sizes = [8, 2048], strides = [1, 1]} : vector<2048x2048xf32> to vector<8x2048xf32>
    %add3A_131 = arith.addf %add3A_129, %slice3A_130 : vector<8x2048xf32>
    %slice3A_132 = vector.extract_strided_slice %dot_general3A_14 {offsets = [472, 0], sizes = [8, 2048], strides = [1, 1]} : vector<2048x2048xf32> to vector<8x2048xf32>
    %add3A_133 = arith.addf %add3A_131, %slice3A_132 : vector<8x2048xf32>
    %slice3A_134 = vector.extract_strided_slice %dot_general3A_14 {offsets = [480, 0], sizes = [8, 2048], strides = [1, 1]} : vector<2048x2048xf32> to vector<8x2048xf32>
    %add3A_135 = arith.addf %add3A_133, %slice3A_134 : vector<8x2048xf32>
    %slice3A_136 = vector.extract_strided_slice %dot_general3A_14 {offsets = [488, 0], sizes = [8, 2048], strides = [1, 1]} : vector<2048x2048xf32> to vector<8x2048xf32>
    %add3A_137 = arith.addf %add3A_135, %slice3A_136 : vector<8x2048xf32>
    %slice3A_138 = vector.extract_strided_slice %dot_general3A_14 {offsets = [496, 0], sizes = [8, 2048], strides = [1, 1]} : vector<2048x2048xf32> to vector<8x2048xf32>
    %add3A_139 = arith.addf %add3A_137, %slice3A_138 : vector<8x2048xf32>
    %slice3A_140 = vector.extract_strided_slice %dot_general3A_14 {offsets = [504, 0], sizes = [8, 2048], strides = [1, 1]} : vector<2048x2048xf32> to vector<8x2048xf32>
    %add3A_141 = arith.addf %add3A_139, %slice3A_140 : vector<8x2048xf32>
    %slice3A_142 = vector.extract_strided_slice %dot_general3A_14 {offsets = [512, 0], sizes = [8, 2048], strides = [1, 1]} : vector<2048x2048xf32> to vector<8x2048xf32>
    %add3A_143 = arith.addf %add3A_141, %slice3A_142 : vector<8x2048xf32>
    %slice3A_144 = vector.extract_strided_slice %dot_general3A_14 {offsets = [520, 0], sizes = [8, 2048], strides = [1, 1]} : vector<2048x2048xf32> to vector<8x2048xf32>
    %add3A_145 = arith.addf %add3A_143, %slice3A_144 : vector<8x2048xf32>
    %slice3A_146 = vector.extract_strided_slice %dot_general3A_14 {offsets = [528, 0], sizes = [8, 2048], strides = [1, 1]} : vector<2048x2048xf32> to vector<8x2048xf32>
    %add3A_147 = arith.addf %add3A_145, %slice3A_146 : vector<8x2048xf32>
    %slice3A_148 = vector.extract_strided_slice %dot_general3A_14 {offsets = [536, 0], sizes = [8, 2048], strides = [1, 1]} : vector<2048x2048xf32> to vector<8x2048xf32>
    %add3A_149 = arith.addf %add3A_147, %slice3A_148 : vector<8x2048xf32>
    %slice3A_150 = vector.extract_strided_slice %dot_general3A_14 {offsets = [544, 0], sizes = [8, 2048], strides = [1, 1]} : vector<2048x2048xf32> to vector<8x2048xf32>
    %add3A_151 = arith.addf %add3A_149, %slice3A_150 : vector<8x2048xf32>
    %slice3A_152 = vector.extract_strided_slice %dot_general3A_14 {offsets = [552, 0], sizes = [8, 2048], strides = [1, 1]} : vector<2048x2048xf32> to vector<8x2048xf32>
    %add3A_153 = arith.addf %add3A_151, %slice3A_152 : vector<8x2048xf32>
    %slice3A_154 = vector.extract_strided_slice %dot_general3A_14 {offsets = [560, 0], sizes = [8, 2048], strides = [1, 1]} : vector<2048x2048xf32> to vector<8x2048xf32>
    %add3A_155 = arith.addf %add3A_153, %slice3A_154 : vector<8x2048xf32>
    %slice3A_156 = vector.extract_strided_slice %dot_general3A_14 {offsets = [568, 0], sizes = [8, 2048], strides = [1, 1]} : vector<2048x2048xf32> to vector<8x2048xf32>
    %add3A_157 = arith.addf %add3A_155, %slice3A_156 : vector<8x2048xf32>
    %slice3A_158 = vector.extract_strided_slice %dot_general3A_14 {offsets = [576, 0], sizes = [8, 2048], strides = [1, 1]} : vector<2048x2048xf32> to vector<8x2048xf32>
    %add3A_159 = arith.addf %add3A_157, %slice3A_158 : vector<8x2048xf32>
    %slice3A_160 = vector.extract_strided_slice %dot_general3A_14 {offsets = [584, 0], sizes = [8, 2048], strides = [1, 1]} : vector<2048x2048xf32> to vector<8x2048xf32>
    %add3A_161 = arith.addf %add3A_159, %slice3A_160 : vector<8x2048xf32>
    %slice3A_162 = vector.extract_strided_slice %dot_general3A_14 {offsets = [592, 0], sizes = [8, 2048], strides = [1, 1]} : vector<2048x2048xf32> to vector<8x2048xf32>
    %add3A_163 = arith.addf %add3A_161, %slice3A_162 : vector<8x2048xf32>
    %slice3A_164 = vector.extract_strided_slice %dot_general3A_14 {offsets = [600, 0], sizes = [8, 2048], strides = [1, 1]} : vector<2048x2048xf32> to vector<8x2048xf32>
    %add3A_165 = arith.addf %add3A_163, %slice3A_164 : vector<8x2048xf32>
    %slice3A_166 = vector.extract_strided_slice %dot_general3A_14 {offsets = [608, 0], sizes = [8, 2048], strides = [1, 1]} : vector<2048x2048xf32> to vector<8x2048xf32>
    %add3A_167 = arith.addf %add3A_165, %slice3A_166 : vector<8x2048xf32>
    %slice3A_168 = vector.extract_strided_slice %dot_general3A_14 {offsets = [616, 0], sizes = [8, 2048], strides = [1, 1]} : vector<2048x2048xf32> to vector<8x2048xf32>
    %add3A_169 = arith.addf %add3A_167, %slice3A_168 : vector<8x2048xf32>
    %slice3A_170 = vector.extract_strided_slice %dot_general3A_14 {offsets = [624, 0], sizes = [8, 2048], strides = [1, 1]} : vector<2048x2048xf32> to vector<8x2048xf32>
    %add3A_171 = arith.addf %add3A_169, %slice3A_170 : vector<8x2048xf32>
    %slice3A_172 = vector.extract_strided_slice %dot_general3A_14 {offsets = [632, 0], sizes = [8, 2048], strides = [1, 1]} : vector<2048x2048xf32> to vector<8x2048xf32>
    %add3A_173 = arith.addf %add3A_171, %slice3A_172 : vector<8x2048xf32>
    %slice3A_174 = vector.extract_strided_slice %dot_general3A_14 {offsets = [640, 0], sizes = [8, 2048], strides = [1, 1]} : vector<2048x2048xf32> to vector<8x2048xf32>
    %add3A_175 = arith.addf %add3A_173, %slice3A_174 : vector<8x2048xf32>
    %slice3A_176 = vector.extract_strided_slice %dot_general3A_14 {offsets = [648, 0], sizes = [8, 2048], strides = [1, 1]} : vector<2048x2048xf32> to vector<8x2048xf32>
    %add3A_177 = arith.addf %add3A_175, %slice3A_176 : vector<8x2048xf32>
    %slice3A_178 = vector.extract_strided_slice %dot_general3A_14 {offsets = [656, 0], sizes = [8, 2048], strides = [1, 1]} : vector<2048x2048xf32> to vector<8x2048xf32>
    %add3A_179 = arith.addf %add3A_177, %slice3A_178 : vector<8x2048xf32>
    %slice3A_180 = vector.extract_strided_slice %dot_general3A_14 {offsets = [664, 0], sizes = [8, 2048], strides = [1, 1]} : vector<2048x2048xf32> to vector<8x2048xf32>
    %add3A_181 = arith.addf %add3A_179, %slice3A_180 : vector<8x2048xf32>
    %slice3A_182 = vector.extract_strided_slice %dot_general3A_14 {offsets = [672, 0], sizes = [8, 2048], strides = [1, 1]} : vector<2048x2048xf32> to vector<8x2048xf32>
    %add3A_183 = arith.addf %add3A_181, %slice3A_182 : vector<8x2048xf32>
    %slice3A_184 = vector.extract_strided_slice %dot_general3A_14 {offsets = [680, 0], sizes = [8, 2048], strides = [1, 1]} : vector<2048x2048xf32> to vector<8x2048xf32>
    %add3A_185 = arith.addf %add3A_183, %slice3A_184 : vector<8x2048xf32>
    %slice3A_186 = vector.extract_strided_slice %dot_general3A_14 {offsets = [688, 0], sizes = [8, 2048], strides = [1, 1]} : vector<2048x2048xf32> to vector<8x2048xf32>
    %add3A_187 = arith.addf %add3A_185, %slice3A_186 : vector<8x2048xf32>
    %slice3A_188 = vector.extract_strided_slice %dot_general3A_14 {offsets = [696, 0], sizes = [8, 2048], strides = [1, 1]} : vector<2048x2048xf32> to vector<8x2048xf32>
    %add3A_189 = arith.addf %add3A_187, %slice3A_188 : vector<8x2048xf32>
    %slice3A_190 = vector.extract_strided_slice %dot_general3A_14 {offsets = [704, 0], sizes = [8, 2048], strides = [1, 1]} : vector<2048x2048xf32> to vector<8x2048xf32>
    %add3A_191 = arith.addf %add3A_189, %slice3A_190 : vector<8x2048xf32>
    %slice3A_192 = vector.extract_strided_slice %dot_general3A_14 {offsets = [712, 0], sizes = [8, 2048], strides = [1, 1]} : vector<2048x2048xf32> to vector<8x2048xf32>
    %add3A_193 = arith.addf %add3A_191, %slice3A_192 : vector<8x2048xf32>
    %slice3A_194 = vector.extract_strided_slice %dot_general3A_14 {offsets = [720, 0], sizes = [8, 2048], strides = [1, 1]} : vector<2048x2048xf32> to vector<8x2048xf32>
    %add3A_195 = arith.addf %add3A_193, %slice3A_194 : vector<8x2048xf32>
    %slice3A_196 = vector.extract_strided_slice %dot_general3A_14 {offsets = [728, 0], sizes = [8, 2048], strides = [1, 1]} : vector<2048x2048xf32> to vector<8x2048xf32>
    %add3A_197 = arith.addf %add3A_195, %slice3A_196 : vector<8x2048xf32>
    %slice3A_198 = vector.extract_strided_slice %dot_general3A_14 {offsets = [736, 0], sizes = [8, 2048], strides = [1, 1]} : vector<2048x2048xf32> to vector<8x2048xf32>
    %add3A_199 = arith.addf %add3A_197, %slice3A_198 : vector<8x2048xf32>
    %slice3A_200 = vector.extract_strided_slice %dot_general3A_14 {offsets = [744, 0], sizes = [8, 2048], strides = [1, 1]} : vector<2048x2048xf32> to vector<8x2048xf32>
    %add3A_201 = arith.addf %add3A_199, %slice3A_200 : vector<8x2048xf32>
    %slice3A_202 = vector.extract_strided_slice %dot_general3A_14 {offsets = [752, 0], sizes = [8, 2048], strides = [1, 1]} : vector<2048x2048xf32> to vector<8x2048xf32>
    %add3A_203 = arith.addf %add3A_201, %slice3A_202 : vector<8x2048xf32>
    %slice3A_204 = vector.extract_strided_slice %dot_general3A_14 {offsets = [760, 0], sizes = [8, 2048], strides = [1, 1]} : vector<2048x2048xf32> to vector<8x2048xf32>
    %add3A_205 = arith.addf %add3A_203, %slice3A_204 : vector<8x2048xf32>
    %slice3A_206 = vector.extract_strided_slice %dot_general3A_14 {offsets = [768, 0], sizes = [8, 2048], strides = [1, 1]} : vector<2048x2048xf32> to vector<8x2048xf32>
    %add3A_207 = arith.addf %add3A_205, %slice3A_206 : vector<8x2048xf32>
    %slice3A_208 = vector.extract_strided_slice %dot_general3A_14 {offsets = [776, 0], sizes = [8, 2048], strides = [1, 1]} : vector<2048x2048xf32> to vector<8x2048xf32>
    %add3A_209 = arith.addf %add3A_207, %slice3A_208 : vector<8x2048xf32>
    %slice3A_210 = vector.extract_strided_slice %dot_general3A_14 {offsets = [784, 0], sizes = [8, 2048], strides = [1, 1]} : vector<2048x2048xf32> to vector<8x2048xf32>
    %add3A_211 = arith.addf %add3A_209, %slice3A_210 : vector<8x2048xf32>
    %slice3A_212 = vector.extract_strided_slice %dot_general3A_14 {offsets = [792, 0], sizes = [8, 2048], strides = [1, 1]} : vector<2048x2048xf32> to vector<8x2048xf32>
    %add3A_213 = arith.addf %add3A_211, %slice3A_212 : vector<8x2048xf32>
    %slice3A_214 = vector.extract_strided_slice %dot_general3A_14 {offsets = [800, 0], sizes = [8, 2048], strides = [1, 1]} : vector<2048x2048xf32> to vector<8x2048xf32>
    %add3A_215 = arith.addf %add3A_213, %slice3A_214 : vector<8x2048xf32>
    %slice3A_216 = vector.extract_strided_slice %dot_general3A_14 {offsets = [808, 0], sizes = [8, 2048], strides = [1, 1]} : vector<2048x2048xf32> to vector<8x2048xf32>
    %add3A_217 = arith.addf %add3A_215, %slice3A_216 : vector<8x2048xf32>
    %slice3A_218 = vector.extract_strided_slice %dot_general3A_14 {offsets = [816, 0], sizes = [8, 2048], strides = [1, 1]} : vector<2048x2048xf32> to vector<8x2048xf32>
    %add3A_219 = arith.addf %add3A_217, %slice3A_218 : vector<8x2048xf32>
    %slice3A_220 = vector.extract_strided_slice %dot_general3A_14 {offsets = [824, 0], sizes = [8, 2048], strides = [1, 1]} : vector<2048x2048xf32> to vector<8x2048xf32>
    %add3A_221 = arith.addf %add3A_219, %slice3A_220 : vector<8x2048xf32>
    %slice3A_222 = vector.extract_strided_slice %dot_general3A_14 {offsets = [832, 0], sizes = [8, 2048], strides = [1, 1]} : vector<2048x2048xf32> to vector<8x2048xf32>
    %add3A_223 = arith.addf %add3A_221, %slice3A_222 : vector<8x2048xf32>
    %slice3A_224 = vector.extract_strided_slice %dot_general3A_14 {offsets = [840, 0], sizes = [8, 2048], strides = [1, 1]} : vector<2048x2048xf32> to vector<8x2048xf32>
    %add3A_225 = arith.addf %add3A_223, %slice3A_224 : vector<8x2048xf32>
    %slice3A_226 = vector.extract_strided_slice %dot_general3A_14 {offsets = [848, 0], sizes = [8, 2048], strides = [1, 1]} : vector<2048x2048xf32> to vector<8x2048xf32>
    %add3A_227 = arith.addf %add3A_225, %slice3A_226 : vector<8x2048xf32>
    %slice3A_228 = vector.extract_strided_slice %dot_general3A_14 {offsets = [856, 0], sizes = [8, 2048], strides = [1, 1]} : vector<2048x2048xf32> to vector<8x2048xf32>
    %add3A_229 = arith.addf %add3A_227, %slice3A_228 : vector<8x2048xf32>
    %slice3A_230 = vector.extract_strided_slice %dot_general3A_14 {offsets = [864, 0], sizes = [8, 2048], strides = [1, 1]} : vector<2048x2048xf32> to vector<8x2048xf32>
    %add3A_231 = arith.addf %add3A_229, %slice3A_230 : vector<8x2048xf32>
    %slice3A_232 = vector.extract_strided_slice %dot_general3A_14 {offsets = [872, 0], sizes = [8, 2048], strides = [1, 1]} : vector<2048x2048xf32> to vector<8x2048xf32>
    %add3A_233 = arith.addf %add3A_231, %slice3A_232 : vector<8x2048xf32>
    %slice3A_234 = vector.extract_strided_slice %dot_general3A_14 {offsets = [880, 0], sizes = [8, 2048], strides = [1, 1]} : vector<2048x2048xf32> to vector<8x2048xf32>
    %add3A_235 = arith.addf %add3A_233, %slice3A_234 : vector<8x2048xf32>
    %slice3A_236 = vector.extract_strided_slice %dot_general3A_14 {offsets = [888, 0], sizes = [8, 2048], strides = [1, 1]} : vector<2048x2048xf32> to vector<8x2048xf32>
    %add3A_237 = arith.addf %add3A_235, %slice3A_236 : vector<8x2048xf32>
    %slice3A_238 = vector.extract_strided_slice %dot_general3A_14 {offsets = [896, 0], sizes = [8, 2048], strides = [1, 1]} : vector<2048x2048xf32> to vector<8x2048xf32>
    %add3A_239 = arith.addf %add3A_237, %slice3A_238 : vector<8x2048xf32>
    %slice3A_240 = vector.extract_strided_slice %dot_general3A_14 {offsets = [904, 0], sizes = [8, 2048], strides = [1, 1]} : vector<2048x2048xf32> to vector<8x2048xf32>
    %add3A_241 = arith.addf %add3A_239, %slice3A_240 : vector<8x2048xf32>
    %slice3A_242 = vector.extract_strided_slice %dot_general3A_14 {offsets = [912, 0], sizes = [8, 2048], strides = [1, 1]} : vector<2048x2048xf32> to vector<8x2048xf32>
    %add3A_243 = arith.addf %add3A_241, %slice3A_242 : vector<8x2048xf32>
    %slice3A_244 = vector.extract_strided_slice %dot_general3A_14 {offsets = [920, 0], sizes = [8, 2048], strides = [1, 1]} : vector<2048x2048xf32> to vector<8x2048xf32>
    %add3A_245 = arith.addf %add3A_243, %slice3A_244 : vector<8x2048xf32>
    %slice3A_246 = vector.extract_strided_slice %dot_general3A_14 {offsets = [928, 0], sizes = [8, 2048], strides = [1, 1]} : vector<2048x2048xf32> to vector<8x2048xf32>
    %add3A_247 = arith.addf %add3A_245, %slice3A_246 : vector<8x2048xf32>
    %slice3A_248 = vector.extract_strided_slice %dot_general3A_14 {offsets = [936, 0], sizes = [8, 2048], strides = [1, 1]} : vector<2048x2048xf32> to vector<8x2048xf32>
    %add3A_249 = arith.addf %add3A_247, %slice3A_248 : vector<8x2048xf32>
    %slice3A_250 = vector.extract_strided_slice %dot_general3A_14 {offsets = [944, 0], sizes = [8, 2048], strides = [1, 1]} : vector<2048x2048xf32> to vector<8x2048xf32>
    %add3A_251 = arith.addf %add3A_249, %slice3A_250 : vector<8x2048xf32>
    %slice3A_252 = vector.extract_strided_slice %dot_general3A_14 {offsets = [952, 0], sizes = [8, 2048], strides = [1, 1]} : vector<2048x2048xf32> to vector<8x2048xf32>
    %add3A_253 = arith.addf %add3A_251, %slice3A_252 : vector<8x2048xf32>
    %slice3A_254 = vector.extract_strided_slice %dot_general3A_14 {offsets = [960, 0], sizes = [8, 2048], strides = [1, 1]} : vector<2048x2048xf32> to vector<8x2048xf32>
    %add3A_255 = arith.addf %add3A_253, %slice3A_254 : vector<8x2048xf32>
    %slice3A_256 = vector.extract_strided_slice %dot_general3A_14 {offsets = [968, 0], sizes = [8, 2048], strides = [1, 1]} : vector<2048x2048xf32> to vector<8x2048xf32>
    %add3A_257 = arith.addf %add3A_255, %slice3A_256 : vector<8x2048xf32>
    %slice3A_258 = vector.extract_strided_slice %dot_general3A_14 {offsets = [976, 0], sizes = [8, 2048], strides = [1, 1]} : vector<2048x2048xf32> to vector<8x2048xf32>
    %add3A_259 = arith.addf %add3A_257, %slice3A_258 : vector<8x2048xf32>
    %slice3A_260 = vector.extract_strided_slice %dot_general3A_14 {offsets = [984, 0], sizes = [8, 2048], strides = [1, 1]} : vector<2048x2048xf32> to vector<8x2048xf32>
    %add3A_261 = arith.addf %add3A_259, %slice3A_260 : vector<8x2048xf32>
    %slice3A_262 = vector.extract_strided_slice %dot_general3A_14 {offsets = [992, 0], sizes = [8, 2048], strides = [1, 1]} : vector<2048x2048xf32> to vector<8x2048xf32>
    %add3A_263 = arith.addf %add3A_261, %slice3A_262 : vector<8x2048xf32>
    %slice3A_264 = vector.extract_strided_slice %dot_general3A_14 {offsets = [1000, 0], sizes = [8, 2048], strides = [1, 1]} : vector<2048x2048xf32> to vector<8x2048xf32>
    %add3A_265 = arith.addf %add3A_263, %slice3A_264 : vector<8x2048xf32>
    %slice3A_266 = vector.extract_strided_slice %dot_general3A_14 {offsets = [1008, 0], sizes = [8, 2048], strides = [1, 1]} : vector<2048x2048xf32> to vector<8x2048xf32>
    %add3A_267 = arith.addf %add3A_265, %slice3A_266 : vector<8x2048xf32>
    %slice3A_268 = vector.extract_strided_slice %dot_general3A_14 {offsets = [1016, 0], sizes = [8, 2048], strides = [1, 1]} : vector<2048x2048xf32> to vector<8x2048xf32>
    %add3A_269 = arith.addf %add3A_267, %slice3A_268 : vector<8x2048xf32>
    %slice3A_270 = vector.extract_strided_slice %dot_general3A_14 {offsets = [1024, 0], sizes = [8, 2048], strides = [1, 1]} : vector<2048x2048xf32> to vector<8x2048xf32>
    %add3A_271 = arith.addf %add3A_269, %slice3A_270 : vector<8x2048xf32>
    %slice3A_272 = vector.extract_strided_slice %dot_general3A_14 {offsets = [1032, 0], sizes = [8, 2048], strides = [1, 1]} : vector<2048x2048xf32> to vector<8x2048xf32>
    %add3A_273 = arith.addf %add3A_271, %slice3A_272 : vector<8x2048xf32>
    %slice3A_274 = vector.extract_strided_slice %dot_general3A_14 {offsets = [1040, 0], sizes = [8, 2048], strides = [1, 1]} : vector<2048x2048xf32> to vector<8x2048xf32>
    %add3A_275 = arith.addf %add3A_273, %slice3A_274 : vector<8x2048xf32>
    %slice3A_276 = vector.extract_strided_slice %dot_general3A_14 {offsets = [1048, 0], sizes = [8, 2048], strides = [1, 1]} : vector<2048x2048xf32> to vector<8x2048xf32>
    %add3A_277 = arith.addf %add3A_275, %slice3A_276 : vector<8x2048xf32>
    %slice3A_278 = vector.extract_strided_slice %dot_general3A_14 {offsets = [1056, 0], sizes = [8, 2048], strides = [1, 1]} : vector<2048x2048xf32> to vector<8x2048xf32>
    %add3A_279 = arith.addf %add3A_277, %slice3A_278 : vector<8x2048xf32>
    %slice3A_280 = vector.extract_strided_slice %dot_general3A_14 {offsets = [1064, 0], sizes = [8, 2048], strides = [1, 1]} : vector<2048x2048xf32> to vector<8x2048xf32>
    %add3A_281 = arith.addf %add3A_279, %slice3A_280 : vector<8x2048xf32>
    %slice3A_282 = vector.extract_strided_slice %dot_general3A_14 {offsets = [1072, 0], sizes = [8, 2048], strides = [1, 1]} : vector<2048x2048xf32> to vector<8x2048xf32>
    %add3A_283 = arith.addf %add3A_281, %slice3A_282 : vector<8x2048xf32>
    %slice3A_284 = vector.extract_strided_slice %dot_general3A_14 {offsets = [1080, 0], sizes = [8, 2048], strides = [1, 1]} : vector<2048x2048xf32> to vector<8x2048xf32>
    %add3A_285 = arith.addf %add3A_283, %slice3A_284 : vector<8x2048xf32>
    %slice3A_286 = vector.extract_strided_slice %dot_general3A_14 {offsets = [1088, 0], sizes = [8, 2048], strides = [1, 1]} : vector<2048x2048xf32> to vector<8x2048xf32>
    %add3A_287 = arith.addf %add3A_285, %slice3A_286 : vector<8x2048xf32>
    %slice3A_288 = vector.extract_strided_slice %dot_general3A_14 {offsets = [1096, 0], sizes = [8, 2048], strides = [1, 1]} : vector<2048x2048xf32> to vector<8x2048xf32>
    %add3A_289 = arith.addf %add3A_287, %slice3A_288 : vector<8x2048xf32>
    %slice3A_290 = vector.extract_strided_slice %dot_general3A_14 {offsets = [1104, 0], sizes = [8, 2048], strides = [1, 1]} : vector<2048x2048xf32> to vector<8x2048xf32>
    %add3A_291 = arith.addf %add3A_289, %slice3A_290 : vector<8x2048xf32>
    %slice3A_292 = vector.extract_strided_slice %dot_general3A_14 {offsets = [1112, 0], sizes = [8, 2048], strides = [1, 1]} : vector<2048x2048xf32> to vector<8x2048xf32>
    %add3A_293 = arith.addf %add3A_291, %slice3A_292 : vector<8x2048xf32>
    %slice3A_294 = vector.extract_strided_slice %dot_general3A_14 {offsets = [1120, 0], sizes = [8, 2048], strides = [1, 1]} : vector<2048x2048xf32> to vector<8x2048xf32>
    %add3A_295 = arith.addf %add3A_293, %slice3A_294 : vector<8x2048xf32>
    %slice3A_296 = vector.extract_strided_slice %dot_general3A_14 {offsets = [1128, 0], sizes = [8, 2048], strides = [1, 1]} : vector<2048x2048xf32> to vector<8x2048xf32>
    %add3A_297 = arith.addf %add3A_295, %slice3A_296 : vector<8x2048xf32>
    %slice3A_298 = vector.extract_strided_slice %dot_general3A_14 {offsets = [1136, 0], sizes = [8, 2048], strides = [1, 1]} : vector<2048x2048xf32> to vector<8x2048xf32>
    %add3A_299 = arith.addf %add3A_297, %slice3A_298 : vector<8x2048xf32>
    %slice3A_300 = vector.extract_strided_slice %dot_general3A_14 {offsets = [1144, 0], sizes = [8, 2048], strides = [1, 1]} : vector<2048x2048xf32> to vector<8x2048xf32>
    %add3A_301 = arith.addf %add3A_299, %slice3A_300 : vector<8x2048xf32>
    %slice3A_302 = vector.extract_strided_slice %dot_general3A_14 {offsets = [1152, 0], sizes = [8, 2048], strides = [1, 1]} : vector<2048x2048xf32> to vector<8x2048xf32>
    %add3A_303 = arith.addf %add3A_301, %slice3A_302 : vector<8x2048xf32>
    %slice3A_304 = vector.extract_strided_slice %dot_general3A_14 {offsets = [1160, 0], sizes = [8, 2048], strides = [1, 1]} : vector<2048x2048xf32> to vector<8x2048xf32>
    %add3A_305 = arith.addf %add3A_303, %slice3A_304 : vector<8x2048xf32>
    %slice3A_306 = vector.extract_strided_slice %dot_general3A_14 {offsets = [1168, 0], sizes = [8, 2048], strides = [1, 1]} : vector<2048x2048xf32> to vector<8x2048xf32>
    %add3A_307 = arith.addf %add3A_305, %slice3A_306 : vector<8x2048xf32>
    %slice3A_308 = vector.extract_strided_slice %dot_general3A_14 {offsets = [1176, 0], sizes = [8, 2048], strides = [1, 1]} : vector<2048x2048xf32> to vector<8x2048xf32>
    %add3A_309 = arith.addf %add3A_307, %slice3A_308 : vector<8x2048xf32>
    %slice3A_310 = vector.extract_strided_slice %dot_general3A_14 {offsets = [1184, 0], sizes = [8, 2048], strides = [1, 1]} : vector<2048x2048xf32> to vector<8x2048xf32>
    %add3A_311 = arith.addf %add3A_309, %slice3A_310 : vector<8x2048xf32>
    %slice3A_312 = vector.extract_strided_slice %dot_general3A_14 {offsets = [1192, 0], sizes = [8, 2048], strides = [1, 1]} : vector<2048x2048xf32> to vector<8x2048xf32>
    %add3A_313 = arith.addf %add3A_311, %slice3A_312 : vector<8x2048xf32>
    %slice3A_314 = vector.extract_strided_slice %dot_general3A_14 {offsets = [1200, 0], sizes = [8, 2048], strides = [1, 1]} : vector<2048x2048xf32> to vector<8x2048xf32>
    %add3A_315 = arith.addf %add3A_313, %slice3A_314 : vector<8x2048xf32>
    %slice3A_316 = vector.extract_strided_slice %dot_general3A_14 {offsets = [1208, 0], sizes = [8, 2048], strides = [1, 1]} : vector<2048x2048xf32> to vector<8x2048xf32>
    %add3A_317 = arith.addf %add3A_315, %slice3A_316 : vector<8x2048xf32>
    %slice3A_318 = vector.extract_strided_slice %dot_general3A_14 {offsets = [1216, 0], sizes = [8, 2048], strides = [1, 1]} : vector<2048x2048xf32> to vector<8x2048xf32>
    %add3A_319 = arith.addf %add3A_317, %slice3A_318 : vector<8x2048xf32>
    %slice3A_320 = vector.extract_strided_slice %dot_general3A_14 {offsets = [1224, 0], sizes = [8, 2048], strides = [1, 1]} : vector<2048x2048xf32> to vector<8x2048xf32>
    %add3A_321 = arith.addf %add3A_319, %slice3A_320 : vector<8x2048xf32>
    %slice3A_322 = vector.extract_strided_slice %dot_general3A_14 {offsets = [1232, 0], sizes = [8, 2048], strides = [1, 1]} : vector<2048x2048xf32> to vector<8x2048xf32>
    %add3A_323 = arith.addf %add3A_321, %slice3A_322 : vector<8x2048xf32>
    %slice3A_324 = vector.extract_strided_slice %dot_general3A_14 {offsets = [1240, 0], sizes = [8, 2048], strides = [1, 1]} : vector<2048x2048xf32> to vector<8x2048xf32>
    %add3A_325 = arith.addf %add3A_323, %slice3A_324 : vector<8x2048xf32>
    %slice3A_326 = vector.extract_strided_slice %dot_general3A_14 {offsets = [1248, 0], sizes = [8, 2048], strides = [1, 1]} : vector<2048x2048xf32> to vector<8x2048xf32>
    %add3A_327 = arith.addf %add3A_325, %slice3A_326 : vector<8x2048xf32>
    %slice3A_328 = vector.extract_strided_slice %dot_general3A_14 {offsets = [1256, 0], sizes = [8, 2048], strides = [1, 1]} : vector<2048x2048xf32> to vector<8x2048xf32>
    %add3A_329 = arith.addf %add3A_327, %slice3A_328 : vector<8x2048xf32>
    %slice3A_330 = vector.extract_strided_slice %dot_general3A_14 {offsets = [1264, 0], sizes = [8, 2048], strides = [1, 1]} : vector<2048x2048xf32> to vector<8x2048xf32>
    %add3A_331 = arith.addf %add3A_329, %slice3A_330 : vector<8x2048xf32>
    %slice3A_332 = vector.extract_strided_slice %dot_general3A_14 {offsets = [1272, 0], sizes = [8, 2048], strides = [1, 1]} : vector<2048x2048xf32> to vector<8x2048xf32>
    %add3A_333 = arith.addf %add3A_331, %slice3A_332 : vector<8x2048xf32>
    %slice3A_334 = vector.extract_strided_slice %dot_general3A_14 {offsets = [1280, 0], sizes = [8, 2048], strides = [1, 1]} : vector<2048x2048xf32> to vector<8x2048xf32>
    %add3A_335 = arith.addf %add3A_333, %slice3A_334 : vector<8x2048xf32>
    %slice3A_336 = vector.extract_strided_slice %dot_general3A_14 {offsets = [1288, 0], sizes = [8, 2048], strides = [1, 1]} : vector<2048x2048xf32> to vector<8x2048xf32>
    %add3A_337 = arith.addf %add3A_335, %slice3A_336 : vector<8x2048xf32>
    %slice3A_338 = vector.extract_strided_slice %dot_general3A_14 {offsets = [1296, 0], sizes = [8, 2048], strides = [1, 1]} : vector<2048x2048xf32> to vector<8x2048xf32>
    %add3A_339 = arith.addf %add3A_337, %slice3A_338 : vector<8x2048xf32>
    %slice3A_340 = vector.extract_strided_slice %dot_general3A_14 {offsets = [1304, 0], sizes = [8, 2048], strides = [1, 1]} : vector<2048x2048xf32> to vector<8x2048xf32>
    %add3A_341 = arith.addf %add3A_339, %slice3A_340 : vector<8x2048xf32>
    %slice3A_342 = vector.extract_strided_slice %dot_general3A_14 {offsets = [1312, 0], sizes = [8, 2048], strides = [1, 1]} : vector<2048x2048xf32> to vector<8x2048xf32>
    %add3A_343 = arith.addf %add3A_341, %slice3A_342 : vector<8x2048xf32>
    %slice3A_344 = vector.extract_strided_slice %dot_general3A_14 {offsets = [1320, 0], sizes = [8, 2048], strides = [1, 1]} : vector<2048x2048xf32> to vector<8x2048xf32>
    %add3A_345 = arith.addf %add3A_343, %slice3A_344 : vector<8x2048xf32>
    %slice3A_346 = vector.extract_strided_slice %dot_general3A_14 {offsets = [1328, 0], sizes = [8, 2048], strides = [1, 1]} : vector<2048x2048xf32> to vector<8x2048xf32>
    %add3A_347 = arith.addf %add3A_345, %slice3A_346 : vector<8x2048xf32>
    %slice3A_348 = vector.extract_strided_slice %dot_general3A_14 {offsets = [1336, 0], sizes = [8, 2048], strides = [1, 1]} : vector<2048x2048xf32> to vector<8x2048xf32>
    %add3A_349 = arith.addf %add3A_347, %slice3A_348 : vector<8x2048xf32>
    %slice3A_350 = vector.extract_strided_slice %dot_general3A_14 {offsets = [1344, 0], sizes = [8, 2048], strides = [1, 1]} : vector<2048x2048xf32> to vector<8x2048xf32>
    %add3A_351 = arith.addf %add3A_349, %slice3A_350 : vector<8x2048xf32>
    %slice3A_352 = vector.extract_strided_slice %dot_general3A_14 {offsets = [1352, 0], sizes = [8, 2048], strides = [1, 1]} : vector<2048x2048xf32> to vector<8x2048xf32>
    %add3A_353 = arith.addf %add3A_351, %slice3A_352 : vector<8x2048xf32>
    %slice3A_354 = vector.extract_strided_slice %dot_general3A_14 {offsets = [1360, 0], sizes = [8, 2048], strides = [1, 1]} : vector<2048x2048xf32> to vector<8x2048xf32>
    %add3A_355 = arith.addf %add3A_353, %slice3A_354 : vector<8x2048xf32>
    %slice3A_356 = vector.extract_strided_slice %dot_general3A_14 {offsets = [1368, 0], sizes = [8, 2048], strides = [1, 1]} : vector<2048x2048xf32> to vector<8x2048xf32>
    %add3A_357 = arith.addf %add3A_355, %slice3A_356 : vector<8x2048xf32>
    %slice3A_358 = vector.extract_strided_slice %dot_general3A_14 {offsets = [1376, 0], sizes = [8, 2048], strides = [1, 1]} : vector<2048x2048xf32> to vector<8x2048xf32>
    %add3A_359 = arith.addf %add3A_357, %slice3A_358 : vector<8x2048xf32>
    %slice3A_360 = vector.extract_strided_slice %dot_general3A_14 {offsets = [1384, 0], sizes = [8, 2048], strides = [1, 1]} : vector<2048x2048xf32> to vector<8x2048xf32>
    %add3A_361 = arith.addf %add3A_359, %slice3A_360 : vector<8x2048xf32>
    %slice3A_362 = vector.extract_strided_slice %dot_general3A_14 {offsets = [1392, 0], sizes = [8, 2048], strides = [1, 1]} : vector<2048x2048xf32> to vector<8x2048xf32>
    %add3A_363 = arith.addf %add3A_361, %slice3A_362 : vector<8x2048xf32>
    %slice3A_364 = vector.extract_strided_slice %dot_general3A_14 {offsets = [1400, 0], sizes = [8, 2048], strides = [1, 1]} : vector<2048x2048xf32> to vector<8x2048xf32>
    %add3A_365 = arith.addf %add3A_363, %slice3A_364 : vector<8x2048xf32>
    %slice3A_366 = vector.extract_strided_slice %dot_general3A_14 {offsets = [1408, 0], sizes = [8, 2048], strides = [1, 1]} : vector<2048x2048xf32> to vector<8x2048xf32>
    %add3A_367 = arith.addf %add3A_365, %slice3A_366 : vector<8x2048xf32>
    %slice3A_368 = vector.extract_strided_slice %dot_general3A_14 {offsets = [1416, 0], sizes = [8, 2048], strides = [1, 1]} : vector<2048x2048xf32> to vector<8x2048xf32>
    %add3A_369 = arith.addf %add3A_367, %slice3A_368 : vector<8x2048xf32>
    %slice3A_370 = vector.extract_strided_slice %dot_general3A_14 {offsets = [1424, 0], sizes = [8, 2048], strides = [1, 1]} : vector<2048x2048xf32> to vector<8x2048xf32>
    %add3A_371 = arith.addf %add3A_369, %slice3A_370 : vector<8x2048xf32>
    %slice3A_372 = vector.extract_strided_slice %dot_general3A_14 {offsets = [1432, 0], sizes = [8, 2048], strides = [1, 1]} : vector<2048x2048xf32> to vector<8x2048xf32>
    %add3A_373 = arith.addf %add3A_371, %slice3A_372 : vector<8x2048xf32>
    %slice3A_374 = vector.extract_strided_slice %dot_general3A_14 {offsets = [1440, 0], sizes = [8, 2048], strides = [1, 1]} : vector<2048x2048xf32> to vector<8x2048xf32>
    %add3A_375 = arith.addf %add3A_373, %slice3A_374 : vector<8x2048xf32>
    %slice3A_376 = vector.extract_strided_slice %dot_general3A_14 {offsets = [1448, 0], sizes = [8, 2048], strides = [1, 1]} : vector<2048x2048xf32> to vector<8x2048xf32>
    %add3A_377 = arith.addf %add3A_375, %slice3A_376 : vector<8x2048xf32>
    %slice3A_378 = vector.extract_strided_slice %dot_general3A_14 {offsets = [1456, 0], sizes = [8, 2048], strides = [1, 1]} : vector<2048x2048xf32> to vector<8x2048xf32>
    %add3A_379 = arith.addf %add3A_377, %slice3A_378 : vector<8x2048xf32>
    %slice3A_380 = vector.extract_strided_slice %dot_general3A_14 {offsets = [1464, 0], sizes = [8, 2048], strides = [1, 1]} : vector<2048x2048xf32> to vector<8x2048xf32>
    %add3A_381 = arith.addf %add3A_379, %slice3A_380 : vector<8x2048xf32>
    %slice3A_382 = vector.extract_strided_slice %dot_general3A_14 {offsets = [1472, 0], sizes = [8, 2048], strides = [1, 1]} : vector<2048x2048xf32> to vector<8x2048xf32>
    %add3A_383 = arith.addf %add3A_381, %slice3A_382 : vector<8x2048xf32>
    %slice3A_384 = vector.extract_strided_slice %dot_general3A_14 {offsets = [1480, 0], sizes = [8, 2048], strides = [1, 1]} : vector<2048x2048xf32> to vector<8x2048xf32>
    %add3A_385 = arith.addf %add3A_383, %slice3A_384 : vector<8x2048xf32>
    %slice3A_386 = vector.extract_strided_slice %dot_general3A_14 {offsets = [1488, 0], sizes = [8, 2048], strides = [1, 1]} : vector<2048x2048xf32> to vector<8x2048xf32>
    %add3A_387 = arith.addf %add3A_385, %slice3A_386 : vector<8x2048xf32>
    %slice3A_388 = vector.extract_strided_slice %dot_general3A_14 {offsets = [1496, 0], sizes = [8, 2048], strides = [1, 1]} : vector<2048x2048xf32> to vector<8x2048xf32>
    %add3A_389 = arith.addf %add3A_387, %slice3A_388 : vector<8x2048xf32>
    %slice3A_390 = vector.extract_strided_slice %dot_general3A_14 {offsets = [1504, 0], sizes = [8, 2048], strides = [1, 1]} : vector<2048x2048xf32> to vector<8x2048xf32>
    %add3A_391 = arith.addf %add3A_389, %slice3A_390 : vector<8x2048xf32>
    %slice3A_392 = vector.extract_strided_slice %dot_general3A_14 {offsets = [1512, 0], sizes = [8, 2048], strides = [1, 1]} : vector<2048x2048xf32> to vector<8x2048xf32>
    %add3A_393 = arith.addf %add3A_391, %slice3A_392 : vector<8x2048xf32>
    %slice3A_394 = vector.extract_strided_slice %dot_general3A_14 {offsets = [1520, 0], sizes = [8, 2048], strides = [1, 1]} : vector<2048x2048xf32> to vector<8x2048xf32>
    %add3A_395 = arith.addf %add3A_393, %slice3A_394 : vector<8x2048xf32>
    %slice3A_396 = vector.extract_strided_slice %dot_general3A_14 {offsets = [1528, 0], sizes = [8, 2048], strides = [1, 1]} : vector<2048x2048xf32> to vector<8x2048xf32>
    %add3A_397 = arith.addf %add3A_395, %slice3A_396 : vector<8x2048xf32>
    %slice3A_398 = vector.extract_strided_slice %dot_general3A_14 {offsets = [1536, 0], sizes = [8, 2048], strides = [1, 1]} : vector<2048x2048xf32> to vector<8x2048xf32>
    %add3A_399 = arith.addf %add3A_397, %slice3A_398 : vector<8x2048xf32>
    %slice3A_400 = vector.extract_strided_slice %dot_general3A_14 {offsets = [1544, 0], sizes = [8, 2048], strides = [1, 1]} : vector<2048x2048xf32> to vector<8x2048xf32>
    %add3A_401 = arith.addf %add3A_399, %slice3A_400 : vector<8x2048xf32>
    %slice3A_402 = vector.extract_strided_slice %dot_general3A_14 {offsets = [1552, 0], sizes = [8, 2048], strides = [1, 1]} : vector<2048x2048xf32> to vector<8x2048xf32>
    %add3A_403 = arith.addf %add3A_401, %slice3A_402 : vector<8x2048xf32>
    %slice3A_404 = vector.extract_strided_slice %dot_general3A_14 {offsets = [1560, 0], sizes = [8, 2048], strides = [1, 1]} : vector<2048x2048xf32> to vector<8x2048xf32>
    %add3A_405 = arith.addf %add3A_403, %slice3A_404 : vector<8x2048xf32>
    %slice3A_406 = vector.extract_strided_slice %dot_general3A_14 {offsets = [1568, 0], sizes = [8, 2048], strides = [1, 1]} : vector<2048x2048xf32> to vector<8x2048xf32>
    %add3A_407 = arith.addf %add3A_405, %slice3A_406 : vector<8x2048xf32>
    %slice3A_408 = vector.extract_strided_slice %dot_general3A_14 {offsets = [1576, 0], sizes = [8, 2048], strides = [1, 1]} : vector<2048x2048xf32> to vector<8x2048xf32>
    %add3A_409 = arith.addf %add3A_407, %slice3A_408 : vector<8x2048xf32>
    %slice3A_410 = vector.extract_strided_slice %dot_general3A_14 {offsets = [1584, 0], sizes = [8, 2048], strides = [1, 1]} : vector<2048x2048xf32> to vector<8x2048xf32>
    %add3A_411 = arith.addf %add3A_409, %slice3A_410 : vector<8x2048xf32>
    %slice3A_412 = vector.extract_strided_slice %dot_general3A_14 {offsets = [1592, 0], sizes = [8, 2048], strides = [1, 1]} : vector<2048x2048xf32> to vector<8x2048xf32>
    %add3A_413 = arith.addf %add3A_411, %slice3A_412 : vector<8x2048xf32>
    %slice3A_414 = vector.extract_strided_slice %dot_general3A_14 {offsets = [1600, 0], sizes = [8, 2048], strides = [1, 1]} : vector<2048x2048xf32> to vector<8x2048xf32>
    %add3A_415 = arith.addf %add3A_413, %slice3A_414 : vector<8x2048xf32>
    %slice3A_416 = vector.extract_strided_slice %dot_general3A_14 {offsets = [1608, 0], sizes = [8, 2048], strides = [1, 1]} : vector<2048x2048xf32> to vector<8x2048xf32>
    %add3A_417 = arith.addf %add3A_415, %slice3A_416 : vector<8x2048xf32>
    %slice3A_418 = vector.extract_strided_slice %dot_general3A_14 {offsets = [1616, 0], sizes = [8, 2048], strides = [1, 1]} : vector<2048x2048xf32> to vector<8x2048xf32>
    %add3A_419 = arith.addf %add3A_417, %slice3A_418 : vector<8x2048xf32>
    %slice3A_420 = vector.extract_strided_slice %dot_general3A_14 {offsets = [1624, 0], sizes = [8, 2048], strides = [1, 1]} : vector<2048x2048xf32> to vector<8x2048xf32>
    %add3A_421 = arith.addf %add3A_419, %slice3A_420 : vector<8x2048xf32>
    %slice3A_422 = vector.extract_strided_slice %dot_general3A_14 {offsets = [1632, 0], sizes = [8, 2048], strides = [1, 1]} : vector<2048x2048xf32> to vector<8x2048xf32>
    %add3A_423 = arith.addf %add3A_421, %slice3A_422 : vector<8x2048xf32>
    %slice3A_424 = vector.extract_strided_slice %dot_general3A_14 {offsets = [1640, 0], sizes = [8, 2048], strides = [1, 1]} : vector<2048x2048xf32> to vector<8x2048xf32>
    %add3A_425 = arith.addf %add3A_423, %slice3A_424 : vector<8x2048xf32>
    %slice3A_426 = vector.extract_strided_slice %dot_general3A_14 {offsets = [1648, 0], sizes = [8, 2048], strides = [1, 1]} : vector<2048x2048xf32> to vector<8x2048xf32>
    %add3A_427 = arith.addf %add3A_425, %slice3A_426 : vector<8x2048xf32>
    %slice3A_428 = vector.extract_strided_slice %dot_general3A_14 {offsets = [1656, 0], sizes = [8, 2048], strides = [1, 1]} : vector<2048x2048xf32> to vector<8x2048xf32>
    %add3A_429 = arith.addf %add3A_427, %slice3A_428 : vector<8x2048xf32>
    %slice3A_430 = vector.extract_strided_slice %dot_general3A_14 {offsets = [1664, 0], sizes = [8, 2048], strides = [1, 1]} : vector<2048x2048xf32> to vector<8x2048xf32>
    %add3A_431 = arith.addf %add3A_429, %slice3A_430 : vector<8x2048xf32>
    %slice3A_432 = vector.extract_strided_slice %dot_general3A_14 {offsets = [1672, 0], sizes = [8, 2048], strides = [1, 1]} : vector<2048x2048xf32> to vector<8x2048xf32>
    %add3A_433 = arith.addf %add3A_431, %slice3A_432 : vector<8x2048xf32>
    %slice3A_434 = vector.extract_strided_slice %dot_general3A_14 {offsets = [1680, 0], sizes = [8, 2048], strides = [1, 1]} : vector<2048x2048xf32> to vector<8x2048xf32>
    %add3A_435 = arith.addf %add3A_433, %slice3A_434 : vector<8x2048xf32>
    %slice3A_436 = vector.extract_strided_slice %dot_general3A_14 {offsets = [1688, 0], sizes = [8, 2048], strides = [1, 1]} : vector<2048x2048xf32> to vector<8x2048xf32>
    %add3A_437 = arith.addf %add3A_435, %slice3A_436 : vector<8x2048xf32>
    %slice3A_438 = vector.extract_strided_slice %dot_general3A_14 {offsets = [1696, 0], sizes = [8, 2048], strides = [1, 1]} : vector<2048x2048xf32> to vector<8x2048xf32>
    %add3A_439 = arith.addf %add3A_437, %slice3A_438 : vector<8x2048xf32>
    %slice3A_440 = vector.extract_strided_slice %dot_general3A_14 {offsets = [1704, 0], sizes = [8, 2048], strides = [1, 1]} : vector<2048x2048xf32> to vector<8x2048xf32>
    %add3A_441 = arith.addf %add3A_439, %slice3A_440 : vector<8x2048xf32>
    %slice3A_442 = vector.extract_strided_slice %dot_general3A_14 {offsets = [1712, 0], sizes = [8, 2048], strides = [1, 1]} : vector<2048x2048xf32> to vector<8x2048xf32>
    %add3A_443 = arith.addf %add3A_441, %slice3A_442 : vector<8x2048xf32>
    %slice3A_444 = vector.extract_strided_slice %dot_general3A_14 {offsets = [1720, 0], sizes = [8, 2048], strides = [1, 1]} : vector<2048x2048xf32> to vector<8x2048xf32>
    %add3A_445 = arith.addf %add3A_443, %slice3A_444 : vector<8x2048xf32>
    %slice3A_446 = vector.extract_strided_slice %dot_general3A_14 {offsets = [1728, 0], sizes = [8, 2048], strides = [1, 1]} : vector<2048x2048xf32> to vector<8x2048xf32>
    %add3A_447 = arith.addf %add3A_445, %slice3A_446 : vector<8x2048xf32>
    %slice3A_448 = vector.extract_strided_slice %dot_general3A_14 {offsets = [1736, 0], sizes = [8, 2048], strides = [1, 1]} : vector<2048x2048xf32> to vector<8x2048xf32>
    %add3A_449 = arith.addf %add3A_447, %slice3A_448 : vector<8x2048xf32>
    %slice3A_450 = vector.extract_strided_slice %dot_general3A_14 {offsets = [1744, 0], sizes = [8, 2048], strides = [1, 1]} : vector<2048x2048xf32> to vector<8x2048xf32>
    %add3A_451 = arith.addf %add3A_449, %slice3A_450 : vector<8x2048xf32>
    %slice3A_452 = vector.extract_strided_slice %dot_general3A_14 {offsets = [1752, 0], sizes = [8, 2048], strides = [1, 1]} : vector<2048x2048xf32> to vector<8x2048xf32>
    %add3A_453 = arith.addf %add3A_451, %slice3A_452 : vector<8x2048xf32>
    %slice3A_454 = vector.extract_strided_slice %dot_general3A_14 {offsets = [1760, 0], sizes = [8, 2048], strides = [1, 1]} : vector<2048x2048xf32> to vector<8x2048xf32>
    %add3A_455 = arith.addf %add3A_453, %slice3A_454 : vector<8x2048xf32>
    %slice3A_456 = vector.extract_strided_slice %dot_general3A_14 {offsets = [1768, 0], sizes = [8, 2048], strides = [1, 1]} : vector<2048x2048xf32> to vector<8x2048xf32>
    %add3A_457 = arith.addf %add3A_455, %slice3A_456 : vector<8x2048xf32>
    %slice3A_458 = vector.extract_strided_slice %dot_general3A_14 {offsets = [1776, 0], sizes = [8, 2048], strides = [1, 1]} : vector<2048x2048xf32> to vector<8x2048xf32>
    %add3A_459 = arith.addf %add3A_457, %slice3A_458 : vector<8x2048xf32>
    %slice3A_460 = vector.extract_strided_slice %dot_general3A_14 {offsets = [1784, 0], sizes = [8, 2048], strides = [1, 1]} : vector<2048x2048xf32> to vector<8x2048xf32>
    %add3A_461 = arith.addf %add3A_459, %slice3A_460 : vector<8x2048xf32>
    %slice3A_462 = vector.extract_strided_slice %dot_general3A_14 {offsets = [1792, 0], sizes = [8, 2048], strides = [1, 1]} : vector<2048x2048xf32> to vector<8x2048xf32>
    %add3A_463 = arith.addf %add3A_461, %slice3A_462 : vector<8x2048xf32>
    %slice3A_464 = vector.extract_strided_slice %dot_general3A_14 {offsets = [1800, 0], sizes = [8, 2048], strides = [1, 1]} : vector<2048x2048xf32> to vector<8x2048xf32>
    %add3A_465 = arith.addf %add3A_463, %slice3A_464 : vector<8x2048xf32>
    %slice3A_466 = vector.extract_strided_slice %dot_general3A_14 {offsets = [1808, 0], sizes = [8, 2048], strides = [1, 1]} : vector<2048x2048xf32> to vector<8x2048xf32>
    %add3A_467 = arith.addf %add3A_465, %slice3A_466 : vector<8x2048xf32>
    %slice3A_468 = vector.extract_strided_slice %dot_general3A_14 {offsets = [1816, 0], sizes = [8, 2048], strides = [1, 1]} : vector<2048x2048xf32> to vector<8x2048xf32>
    %add3A_469 = arith.addf %add3A_467, %slice3A_468 : vector<8x2048xf32>
    %slice3A_470 = vector.extract_strided_slice %dot_general3A_14 {offsets = [1824, 0], sizes = [8, 2048], strides = [1, 1]} : vector<2048x2048xf32> to vector<8x2048xf32>
    %add3A_471 = arith.addf %add3A_469, %slice3A_470 : vector<8x2048xf32>
    %slice3A_472 = vector.extract_strided_slice %dot_general3A_14 {offsets = [1832, 0], sizes = [8, 2048], strides = [1, 1]} : vector<2048x2048xf32> to vector<8x2048xf32>
    %add3A_473 = arith.addf %add3A_471, %slice3A_472 : vector<8x2048xf32>
    %slice3A_474 = vector.extract_strided_slice %dot_general3A_14 {offsets = [1840, 0], sizes = [8, 2048], strides = [1, 1]} : vector<2048x2048xf32> to vector<8x2048xf32>
    %add3A_475 = arith.addf %add3A_473, %slice3A_474 : vector<8x2048xf32>
    %slice3A_476 = vector.extract_strided_slice %dot_general3A_14 {offsets = [1848, 0], sizes = [8, 2048], strides = [1, 1]} : vector<2048x2048xf32> to vector<8x2048xf32>
    %add3A_477 = arith.addf %add3A_475, %slice3A_476 : vector<8x2048xf32>
    %slice3A_478 = vector.extract_strided_slice %dot_general3A_14 {offsets = [1856, 0], sizes = [8, 2048], strides = [1, 1]} : vector<2048x2048xf32> to vector<8x2048xf32>
    %add3A_479 = arith.addf %add3A_477, %slice3A_478 : vector<8x2048xf32>
    %slice3A_480 = vector.extract_strided_slice %dot_general3A_14 {offsets = [1864, 0], sizes = [8, 2048], strides = [1, 1]} : vector<2048x2048xf32> to vector<8x2048xf32>
    %add3A_481 = arith.addf %add3A_479, %slice3A_480 : vector<8x2048xf32>
    %slice3A_482 = vector.extract_strided_slice %dot_general3A_14 {offsets = [1872, 0], sizes = [8, 2048], strides = [1, 1]} : vector<2048x2048xf32> to vector<8x2048xf32>
    %add3A_483 = arith.addf %add3A_481, %slice3A_482 : vector<8x2048xf32>
    %slice3A_484 = vector.extract_strided_slice %dot_general3A_14 {offsets = [1880, 0], sizes = [8, 2048], strides = [1, 1]} : vector<2048x2048xf32> to vector<8x2048xf32>
    %add3A_485 = arith.addf %add3A_483, %slice3A_484 : vector<8x2048xf32>
    %slice3A_486 = vector.extract_strided_slice %dot_general3A_14 {offsets = [1888, 0], sizes = [8, 2048], strides = [1, 1]} : vector<2048x2048xf32> to vector<8x2048xf32>
    %add3A_487 = arith.addf %add3A_485, %slice3A_486 : vector<8x2048xf32>
    %slice3A_488 = vector.extract_strided_slice %dot_general3A_14 {offsets = [1896, 0], sizes = [8, 2048], strides = [1, 1]} : vector<2048x2048xf32> to vector<8x2048xf32>
    %add3A_489 = arith.addf %add3A_487, %slice3A_488 : vector<8x2048xf32>
    %slice3A_490 = vector.extract_strided_slice %dot_general3A_14 {offsets = [1904, 0], sizes = [8, 2048], strides = [1, 1]} : vector<2048x2048xf32> to vector<8x2048xf32>
    %add3A_491 = arith.addf %add3A_489, %slice3A_490 : vector<8x2048xf32>
    %slice3A_492 = vector.extract_strided_slice %dot_general3A_14 {offsets = [1912, 0], sizes = [8, 2048], strides = [1, 1]} : vector<2048x2048xf32> to vector<8x2048xf32>
    %add3A_493 = arith.addf %add3A_491, %slice3A_492 : vector<8x2048xf32>
    %slice3A_494 = vector.extract_strided_slice %dot_general3A_14 {offsets = [1920, 0], sizes = [8, 2048], strides = [1, 1]} : vector<2048x2048xf32> to vector<8x2048xf32>
    %add3A_495 = arith.addf %add3A_493, %slice3A_494 : vector<8x2048xf32>
    %slice3A_496 = vector.extract_strided_slice %dot_general3A_14 {offsets = [1928, 0], sizes = [8, 2048], strides = [1, 1]} : vector<2048x2048xf32> to vector<8x2048xf32>
    %add3A_497 = arith.addf %add3A_495, %slice3A_496 : vector<8x2048xf32>
    %slice3A_498 = vector.extract_strided_slice %dot_general3A_14 {offsets = [1936, 0], sizes = [8, 2048], strides = [1, 1]} : vector<2048x2048xf32> to vector<8x2048xf32>
    %add3A_499 = arith.addf %add3A_497, %slice3A_498 : vector<8x2048xf32>
    %slice3A_500 = vector.extract_strided_slice %dot_general3A_14 {offsets = [1944, 0], sizes = [8, 2048], strides = [1, 1]} : vector<2048x2048xf32> to vector<8x2048xf32>
    %add3A_501 = arith.addf %add3A_499, %slice3A_500 : vector<8x2048xf32>
    %slice3A_502 = vector.extract_strided_slice %dot_general3A_14 {offsets = [1952, 0], sizes = [8, 2048], strides = [1, 1]} : vector<2048x2048xf32> to vector<8x2048xf32>
    %add3A_503 = arith.addf %add3A_501, %slice3A_502 : vector<8x2048xf32>
    %slice3A_504 = vector.extract_strided_slice %dot_general3A_14 {offsets = [1960, 0], sizes = [8, 2048], strides = [1, 1]} : vector<2048x2048xf32> to vector<8x2048xf32>
    %add3A_505 = arith.addf %add3A_503, %slice3A_504 : vector<8x2048xf32>
    %slice3A_506 = vector.extract_strided_slice %dot_general3A_14 {offsets = [1968, 0], sizes = [8, 2048], strides = [1, 1]} : vector<2048x2048xf32> to vector<8x2048xf32>
    %add3A_507 = arith.addf %add3A_505, %slice3A_506 : vector<8x2048xf32>
    %slice3A_508 = vector.extract_strided_slice %dot_general3A_14 {offsets = [1976, 0], sizes = [8, 2048], strides = [1, 1]} : vector<2048x2048xf32> to vector<8x2048xf32>
    %add3A_509 = arith.addf %add3A_507, %slice3A_508 : vector<8x2048xf32>
    %slice3A_510 = vector.extract_strided_slice %dot_general3A_14 {offsets = [1984, 0], sizes = [8, 2048], strides = [1, 1]} : vector<2048x2048xf32> to vector<8x2048xf32>
    %add3A_511 = arith.addf %add3A_509, %slice3A_510 : vector<8x2048xf32>
    %slice3A_512 = vector.extract_strided_slice %dot_general3A_14 {offsets = [1992, 0], sizes = [8, 2048], strides = [1, 1]} : vector<2048x2048xf32> to vector<8x2048xf32>
    %add3A_513 = arith.addf %add3A_511, %slice3A_512 : vector<8x2048xf32>
    %slice3A_514 = vector.extract_strided_slice %dot_general3A_14 {offsets = [2000, 0], sizes = [8, 2048], strides = [1, 1]} : vector<2048x2048xf32> to vector<8x2048xf32>
    %add3A_515 = arith.addf %add3A_513, %slice3A_514 : vector<8x2048xf32>
    %slice3A_516 = vector.extract_strided_slice %dot_general3A_14 {offsets = [2008, 0], sizes = [8, 2048], strides = [1, 1]} : vector<2048x2048xf32> to vector<8x2048xf32>
    %add3A_517 = arith.addf %add3A_515, %slice3A_516 : vector<8x2048xf32>
    %slice3A_518 = vector.extract_strided_slice %dot_general3A_14 {offsets = [2016, 0], sizes = [8, 2048], strides = [1, 1]} : vector<2048x2048xf32> to vector<8x2048xf32>
    %add3A_519 = arith.addf %add3A_517, %slice3A_518 : vector<8x2048xf32>
    %slice3A_520 = vector.extract_strided_slice %dot_general3A_14 {offsets = [2024, 0], sizes = [8, 2048], strides = [1, 1]} : vector<2048x2048xf32> to vector<8x2048xf32>
    %add3A_521 = arith.addf %add3A_519, %slice3A_520 : vector<8x2048xf32>
    %slice3A_522 = vector.extract_strided_slice %dot_general3A_14 {offsets = [2032, 0], sizes = [8, 2048], strides = [1, 1]} : vector<2048x2048xf32> to vector<8x2048xf32>
    %add3A_523 = arith.addf %add3A_521, %slice3A_522 : vector<8x2048xf32>
    %slice3A_524 = vector.extract_strided_slice %dot_general3A_14 {offsets = [2040, 0], sizes = [8, 2048], strides = [1, 1]} : vector<2048x2048xf32> to vector<8x2048xf32>
    %add3A_525 = arith.addf %add3A_523, %slice3A_524 : vector<8x2048xf32>
    %slice3A_526 = vector.extract_strided_slice %add3A_525 {offsets = [0, 0], sizes = [4, 2048], strides = [1, 1]} : vector<8x2048xf32> to vector<4x2048xf32>
    %slice3A_527 = vector.extract_strided_slice %add3A_525 {offsets = [4, 0], sizes = [4, 2048], strides = [1, 1]} : vector<8x2048xf32> to vector<4x2048xf32>
    %add3A_528 = arith.addf %slice3A_526, %slice3A_527 : vector<4x2048xf32>
    %slice3A_529 = vector.extract_strided_slice %add3A_528 {offsets = [0, 0], sizes = [2, 2048], strides = [1, 1]} : vector<4x2048xf32> to vector<2x2048xf32>
    %slice3A_530 = vector.extract_strided_slice %add3A_528 {offsets = [2, 0], sizes = [2, 2048], strides = [1, 1]} : vector<4x2048xf32> to vector<2x2048xf32>
    %add3A_531 = arith.addf %slice3A_529, %slice3A_530 : vector<2x2048xf32>
    %slice3A_532 = vector.extract_strided_slice %add3A_531 {offsets = [0, 0], sizes = [1, 2048], strides = [1, 1]} : vector<2x2048xf32> to vector<1x2048xf32>
    %slice3A_533 = vector.extract_strided_slice %add3A_531 {offsets = [1, 0], sizes = [1, 2048], strides = [1, 1]} : vector<2x2048xf32> to vector<1x2048xf32>
    %add3A_534 = arith.addf %slice3A_532, %slice3A_533 : vector<1x2048xf32>
    %reduce_max3A = arith.constant dense<0xFF800000> : vector<2048xf32>
    %reduce_max3A_535 = vector.multi_reduction <maximumf>, %dot_general3A_14, %reduce_max3A [0] : vector<2048x2048xf32> to vector<2048xf32>
    %broadcast_in_dim3A_536 = vector.shape_cast %reduce_max3A_535 : vector<2048xf32> to vector<1x2048xf32>
    %mul3A = arith.constant 4.8828125E-4 : f32
    %mul3A_537 = vector.broadcast %mul3A : f32 to vector<1x2048xf32>
    %mul3A_538 = arith.mulf %add3A_534, %mul3A_537 : vector<1x2048xf32>
    %sub3A = arith.subf %broadcast_in_dim3A_536, %mul3A_538 : vector<1x2048xf32>
    %swap3A = arith.constant 0 : index
    %swap3A_539 = arith.constant 0 : index
    %swap3A_540 = arith.constant 0 : index
    %swap3A_541 = vector.load %arg6[%swap3A, %swap3A_539, %swap3A_540] : memref<1x1x2048xf32, #tpu.memory_space<vmem>>, vector<1x1x2048xf32>
    %swap3A_542 = vector.shape_cast %swap3A_541 : vector<1x1x2048xf32> to vector<1x2048xf32>
    %swap3A_543 = vector.shape_cast %sub3A : vector<1x2048xf32> to vector<1x1x2048xf32>
    tpu.vector_store %arg6[%swap3A, %swap3A_539, %swap3A_540], %swap3A_543 {strides = array<i32>} : memref<1x1x2048xf32, #tpu.memory_space<vmem>>, vector<1x1x2048xf32>,
    %sub3A_544 = vector.broadcast %broadcast_in_dim3A_536 : vector<1x2048xf32> to vector<2048x2048xf32>
    %sub3A_545 = arith.subf %dot_general3A_14, %sub3A_544 : vector<2048x2048xf32>
    %mul3A_546 = arith.constant 1.250000e-01 : f32
    %mul3A_547 = vector.broadcast %mul3A_546 : f32 to vector<2048x2048xf32>
    %mul3A_548 = arith.mulf %sub3A_545, %mul3A_547 : vector<2048x2048xf32>
    %exp3A = math.exp %mul3A_548 : vector<2048x2048xf32>
    %reduce_sum3A = arith.constant dense<0.000000e+00> : vector<2048xf32>
    %reduce_sum3A_549 = vector.multi_reduction <add>, %exp3A, %reduce_sum3A [0] : vector<2048x2048xf32> to vector<2048xf32>
    %broadcast_in_dim3A_550 = vector.shape_cast %reduce_sum3A_549 : vector<2048xf32> to vector<1x2048xf32>
    %div3A = arith.constant 1.000000e+00 : f32
    %div3A_551 = vector.broadcast %div3A : f32 to vector<1x2048xf32>
    %div3A_552 = arith.divf %div3A_551, %broadcast_in_dim3A_550 : vector<1x2048xf32>
    %mul3A_553 = vector.broadcast %div3A_552 : vector<1x2048xf32> to vector<2048x2048xf32>
    %mul3A_554 = arith.mulf %exp3A, %mul3A_553 : vector<2048x2048xf32>
    %convert_element_type3A = arith.truncf %mul3A_554 : vector<2048x2048xf32> to vector<2048x2048xbf16>
    %convert_element_type3A_555 = arith.truncf %get3A_13 : vector<64x2048xf32> to vector<64x2048xbf16>
    %dot_general3A_556 = arith.constant dense<0.000000e+00> : vector<2048x64xf32>
    %dot_general3A_557 = tpu.matmul %convert_element_type3A, %convert_element_type3A_555, %dot_general3A_556 {dimension_numbers = #tpu.dot_dimension_numbers<[0], [1], [1], [0], [0, 1, 1, 0], [], []>, transpose_lhs_hint = false} : vector<2048x2048xbf16>, vector<64x2048xbf16>, vector<2048x64xf32> -> vector<2048x64xf32>
    %swap3A_558 = arith.constant 0 : index
    %swap3A_559 = arith.constant 0 : index
    %swap3A_560 = arith.constant 0 : index
    %swap3A_561 = vector.load %arg5[%swap3A_558, %swap3A_559, %swap3A_560] : memref<1x2048x64xf32, #tpu.memory_space<vmem>>, vector<1x2048x64xf32>
    %swap3A_562 = vector.shape_cast %swap3A_561 : vector<1x2048x64xf32> to vector<2048x64xf32>
    %swap3A_563 = vector.shape_cast %dot_general3A_557 : vector<2048x64xf32> to vector<1x2048x64xf32>
    tpu.vector_store %arg5[%swap3A_558, %swap3A_559, %swap3A_560], %swap3A_563 {strides = array<i32>} : memref<1x2048x64xf32, #tpu.memory_space<vmem>>, vector<1x2048x64xf32>,
    return
  }
  func.func @transform_0(%arg0: i32, %arg1: i32) -> (i32, i32, i32) {
    %c0_i32 = arith.constant 0 : i32
    %c0_i32_0 = arith.constant 0 : i32
    return %arg0, %c0_i32, %arg1 : i32, i32, i32
  }
  func.func @transform_1(%arg0: i32, %arg1: i32) -> (i32, i32, i32) {
    %c0_i32 = arith.constant 0 : i32
    %c0_i32_0 = arith.constant 0 : i32
    %c0_i32_1 = arith.constant 0 : i32
    return %arg0, %c0_i32, %c0_i32_0 : i32, i32, i32
  }
  func.func @transform_2(%arg0: i32, %arg1: i32) -> (i32, i32, i32) {
    %c0_i32 = arith.constant 0 : i32
    %c0_i32_0 = arith.constant 0 : i32
    %c0_i32_1 = arith.constant 0 : i32
    return %arg0, %c0_i32, %c0_i32_0 : i32, i32, i32
  }
  func.func @transform_3(%arg0: i32, %arg1: i32) -> (i32, i32, i32) {
    %c0_i32 = arith.constant 0 : i32
    %c0_i32_0 = arith.constant 0 : i32
    return %arg0, %arg1, %c0_i32 : i32, i32, i32
  }
  func.func @transform_4(%arg0: i32, %arg1: i32) -> (i32, i32, i32) {
    %mul3A = arith.constant 1 : i32
    %mul3A_0 = arith.muli %arg0, %mul3A : i32
    %add3A = arith.addi %mul3A_0, %arg1 : i32
    %c0_i32 = arith.constant 0 : i32
    %c0_i32_1 = arith.constant 0 : i32
    %c0_i32_2 = arith.constant 0 : i32
    return %add3A, %c0_i32, %c0_i32_1 : i32, i32, i32
  }
}

</mosaic_0001>

<sc_bundles>
// kernel: kernel.5.cloned.1.call-start
scs
__scs_entry_jumppad:
0x0: {  	(pc) =	sbr.rel $0x88, $3  }
0x1: {  	(tag) =	ssettag $0x0;
	lr =	simm.s32 $0x1  }
0x2: {  	[smem:$0x3F9E] =	sst lr;
	_ =	strace $0xD0000000  }
0x3: {  	_ = 	snop  }
0x4: {  	_ = 	snop  }
0x5: {  	_ = 	snop  }
0x6: {  	_ = 	snop  }
0x7: {  	_ = 	snop  }
__scs_overlays_trampoline_lowered:
0x8: {  	[smem:$0x3FAD] =	sst s0  }
0x9: {  	[smem:$0x3FAE] =	sst s1  }
0xa: {  	[smem:$0x3FAF] =	sst s2  }
0xb: {  	[smem:$0x3FB0] =	sst s3  }
0xc: {  	[smem:$0x3FB1] =	sst s4  }
0xd: {  	[smem:$0x3FB2] =	sst s5  }
0xe: {  	[smem:$0x3FB3] =	sst s6  }
0xf: {  	[smem:$0x3FB4] =	sst s7  }
0x10: {  	[smem:$0x3FB5] =	sst s8  }
0x11: {  	[smem:$0x3FB6] =	sst s9;
	s0 =	simm.s32 @!p0 $0x0  }
0x12: {  	s1 =	sld [smem:$0x3F9C];
	s0 =	simm.s32 @p0 $0x1  }
0x13: {  	[smem:$0x3FB7] =	sst s0;
	s0 =	simm.s32 @!p1 $0x0  }
0x14: {  	s2 =	sld [smem:$0x3F9B];
	s0 =	simm.s32 @p1 $0x1  }
0x15: {  	[smem:$0x3FB8] =	sst s0;
	s0 =	simm.s32 @!p2 $0x0  }
0x16: {  	s3 =	sld [smem:$0x3FDB];
	s0 =	simm.s32 @p2 $0x1  }
0x17: {  	s4 =	simm.s32 $0x1BF5;
	[smem:$0x3FBA] =	sst s0  }
0x18: {  	s0 =	sld [smem:$0x3F9D];
	_ =	swait.ge [sflag:s4], $0x0  }
0x19: {  	s7 =	sld [smem:$0x3F9E]  }
0x1a: {  	s8 =	sadd.s32 $0xFFFFE003, lr  }
0x1b: {  	s9 =	sadd.s32 $0xFFFFFEF7, lr;
	s5 =	simm.s32 $0xFFFFFFFF;
	p2 =	slt.u32 s8, $0xFFFFF086  }
0x1c: {  	p1 =	slt.u32 s9, $0xF7A;
	s5 =	simm.s32 @!p2 $0x0  }
0x1d: {  	s5 =	simm.s32 @p1 $0x1;
	p0 =	seq.s32 s7, s2  }
0x1e: {  	s7 =	smul.u32 @!p0 $0xF7A, s2;
	p2 =	seq.s32 @!p0 s5, $0x0  }
0x1f: {  	s9 =	smul.u32 $0xF7A, s1;
	s8 =	simm.s32 @!p0 $0x1BF5;
	p2 =	por !p2, p0  }
0x20: {  	[sflag:s8] =	ssyncset.s32 @!p0 $0xFFFFF086;
	s6 =	sadd.s32 @!p0 s3, s7;
	s7 =	simm.s32 @!p0 $0x108  }
0x21: {  	s3 =	sadd.s32 s3, s9;
	s6 =	sadd.s32 @!p0 $0x88, s6;
	s7 =	simm.s32 @p2 $0x1082  }
0x22: {  	[simem:s7], [sflag:s8] =	dma.local @!p0 [hbm:s6], $0xF7A  }
0x23: {  	s9 =	sor.u32 $0xD0000000, s2;
	s6 =	simm.s32 $0x108;
	_ =	swait.ge @!p0 [sflag:s8], $0x0  }
0x24: {  	s3 =	sadd.s32 $0x88, s3;
	s6 =	simm.s32 @!p1 $0x1082;
	[sflag:s4] =	ssyncset.s32 $0xFFFFF086  }
0x25: {  	[simem:s6], [sflag:s4] =	dma.local [hbm:s3], $0xF7A  }
0x26: {  	[smem:$0x3F9E] =	sst s1;
	(tag) =	ssettag s2;
	_ =	strace s9  }
0x27: {  	s1 =	sld [smem:$0x3FAE]  }
0x28: {  	s2 =	sld [smem:$0x3FAF]  }
0x29: {  	s4 =	sld [smem:$0x3FB1]  }
0x2a: {  	p0 =	seq.s32 s5, $0x0;
	s5 =	sld [smem:$0x3FB2]  }
0x2b: {  	s6 =	sld [smem:$0x3FB3]  }
0x2c: {  	s7 =	sld [smem:$0x3FB4]  }
0x2d: {  	s3 =	simm.s32 $0x108;
	s8 =	sld [smem:$0x3FB5]  }
0x2e: {  	s3 =	simm.s32 @!p0 $0x1082;
	s9 =	sld [smem:$0x3FB6]  }
0x2f: {  	lr =	sadd.s32 s0, s3;
	s0 =	sld [smem:$0x3FAD]  }
0x30: {  	s3 =	sld [smem:$0x3FB0]  }
0x31: {  	[smem:$0x3FB9] =	sst s10  }
0x32: {  	s10 =	sld [smem:$0x3FB7];
	_ =	sdelay $0x3  }
0x33: {  	p0 =	seq.s32 s10, $0x1;
	s10 =	sld [smem:$0x3FB9];
	_ =	sdelay $0x3  }
0x34: {  	[smem:$0x3FB9] =	sst s10  }
0x35: {  	s10 =	sld [smem:$0x3FB8];
	_ =	sdelay $0x3  }
0x36: {  	p1 =	seq.s32 s10, $0x1;
	s10 =	sld [smem:$0x3FB9];
	_ =	sdelay $0x3  }
0x37: {  	[smem:$0x3FB9] =	sst s10  }
0x38: {  	s10 =	sld [smem:$0x3FBA]  }
0x39: {  	_ = 	snop;
	(pc) =	sbr.ind lr, $3  }
0x3a: {  	_ = 	snop  }
0x3b: {  	_ = 	snop  }
0x3c: {  	p2 =	seq.s32 s10, $0x1;
	s10 =	sld [smem:$0x3FB9]  }
0x3d: {  	_ =	shalt  }
0x3e: {  	_ =	shalt  }
0x3f: {  	_ =	shalt  }
0x40: {  	_ =	shalt  }
0x41: {  	_ =	shalt  }
0x42: {  	_ =	shalt  }
0x43: {  	_ =	shalt  }
0x44: {  	_ =	shalt  }
0x45: {  	_ =	shalt  }
0x46: {  	_ =	shalt  }
0x47: {  	_ =	shalt  }
0x48: {  	_ =	shalt  }
0x49: {  	_ =	shalt  }
0x4a: {  	_ =	shalt  }
0x4b: {  	_ =	shalt  }
0x4c: {  	_ =	shalt  }
0x4d: {  	_ =	shalt  }
0x4e: {  	_ =	shalt  }
0x4f: {  	_ =	shalt  }
0x50: {  	_ =	shalt  }
0x51: {  	_ =	shalt  }
0x52: {  	_ =	shalt  }
0x53: {  	_ =	shalt  }
0x54: {  	_ =	shalt  }
0x55: {  	_ =	shalt  }
0x56: {  	_ =	shalt  }
0x57: {  	_ =	shalt  }
0x58: {  	_ =	shalt  }
0x59: {  	_ =	shalt  }
0x5a: {  	_ =	shalt  }
0x5b: {  	_ =	shalt  }
0x5c: {  	_ =	shalt  }
0x5d: {  	_ =	shalt  }
0x5e: {  	_ =	shalt  }
0x5f: {  	_ =	shalt  }
0x60: {  	_ =	shalt  }
0x61: {  	_ =	shalt  }
0x62: {  	_ =	shalt  }
0x63: {  	_ =	shalt  }
0x64: {  	_ =	shalt  }
0x65: {  	_ =	shalt  }
0x66: {  	_ =	shalt  }
0x67: {  	_ =	shalt  }
0x68: {  	_ =	shalt  }
0x69: {  	_ =	shalt  }
0x6a: {  	_ =	shalt  }
0x6b: {  	_ =	shalt  }
0x6c: {  	_ =	shalt  }
0x6d: {  	_ =	shalt  }
0x6e: {  	_ =	shalt  }
0x6f: {  	_ =	shalt  }
0x70: {  	_ =	shalt  }
0x71: {  	_ =	shalt  }
0x72: {  	_ =	shalt  }
0x73: {  	_ =	shalt  }
0x74: {  	_ =	shalt  }
0x75: {  	_ =	shalt  }
0x76: {  	_ =	shalt  }
0x77: {  	_ =	shalt  }
0x78: {  	_ =	shalt  }
0x79: {  	_ =	shalt  }
0x7a: {  	_ =	shalt  }
0x7b: {  	_ =	shalt  }
0x7c: {  	_ =	shalt  }
0x7d: {  	_ =	shalt  }
0x7e: {  	_ =	shalt  }
0x7f: {  	_ =	shalt  }
0x80: {  	_ =	shalt  }
0x81: {  	_ =	shalt  }
0x82: {  	_ =	shalt  }
0x83: {  	_ =	shalt  }
0x84: {  	_ =	shalt  }
0x85: {  	_ =	shalt  }
0x86: {  	_ =	shalt  }
0x87: {  	_ =	shalt  }
.Lfunc_end0:
.L_simem_size_0:
called_computation_lowered:
.L_overlay_start_0:
0x88: {  	s2 =	sld [smem:$0x3FD9]  }
0x89: {  	s3 =	sld [smem:$0x3FFE];
	_ =	sdelay $0x1  }
0x8a: {  	s1 =	srdreg.scid  }
0x8b: {  	s0 =	sand.u32 $0x1, s1  }
0x8c: {  	s17 =	sshll.u32 s0, $0xA;
	s2 =	sadd.s32 s3, s2  }
0x8d: {  	s2 =	sadd.s32 s2, s17  }
0x8e: {  	[smem:$0x3FC5] =	sst s2  }
0x8f: {  	_ = 	snop  }
0x90: {  	s2 =	sld [smem:$0x3FD0];
	(tm) =	ssettm $0x1  }
0x91: {  	s18 =	sld [smem:$0x3FFB];
	_ =	sdelay $0x3  }
0x92: {  	_ =	strace s18  }
0x93: {  	s3 =	sld [smem:$0x3FFC];
	_ =	sdelay $0x3  }
0x94: {  	_ =	strace s3  }
0x95: {  	s3 =	sld [smem:$0x3FFD];
	_ =	sdelay $0x3  }
0x96: {  	_ =	strace s3  }
0x97: {  	_ =	strace $0x8FFFFFFF  }
0x98: {  	s19 =	sld [smem:$0x3FDB];
	_ =	sdelay $0x1  }
0x99: {  	s4 =	simm.s32 $_scs_section_size  }
0x9a: {  	s5 =	simm.s32 $_size__tile_overlayer_lowered;
	s6 =	simm.s32 $_tile_overlayer_lowered  }
0x9b: {  	s22 =	simm.s32 $0x1BFF;
	s21 =	sshll.u32 s6, $0x1;
	s3 =	sadd.s32 s4, s19  }
0x9c: {  	s7 =	simm.s32 $0x0;
	s20 =	sshll.u32 s5, $0x1;
	s5 =	sadd.s32 s21, s3  }
0x9d: {  	[timem:s7], [sflag:s22] =	dma.local [hbm:s5], s20  }
0x9e: {  	_ =	swait.ge [sflag:s22], s20  }
0x9f: {  	s4 =	ssub.s32 $0x0, s20;
	[sflag:s22] =	ssyncset.done $0x0  }
0xa0: {  	[sflag:s22] =	ssyncadd.s32 s4;
	_ =	sdelay $0x1  }
0xa1: {  	s23 =	simm.s32 $0x1B8B  }
0xa2: {  	_ =	swait.ge [sflag:s23], $0x1  }
0xa3: {  	[sflag:s23] =	ssyncset.done $0x0  }
0xa4: {  	s25 =	simm.s32 $0x1B8E;
	s24 =	sld [smem:$0x3FFE];
	[sflag:s23] =	ssyncadd.s32 $0xFFFFFFFF  }
0xa5: {  	s26 =	simm.s32 $execute0_lowered;
	[smem:$0x3FD2] =	sst s25  }
0xa6: {  	s5 =	sshll.u32 s26, $0x1;
	_ =	strace $0x80000046;
	[dreg:$0x1] =	wrdreg $0xFFFFFFFF  }
0xa7: {  	s28 =	simm.s32 $_size_execute0_lowered;
	s3 =	sadd.s32 s3, s5;
	[dreg:$0x0] =	wrdreg $0x0  }
0xa8: {  	s5 =	sshll.u32 s28, $0x1;
	[dreg:$0x2] =	wrdreg s3  }
0xa9: {  	[dreg:$0x3] =	wrdreg s5  }
0xaa: {  	[dreg:$0x4] =	wrdreg $0xC0  }
0xab: {  	_ =	task [dreg:s7], $0x5FFFF  }
0xac: {  	[dreg:$0x1] =	wrdreg $0xFFFFFFFF  }
0xad: {  	[dreg:$0x0] =	wrdreg $0x60  }
0xae: {  	[dreg:$0x2] =	wrdreg s2  }
0xaf: {  	[dreg:$0x3] =	wrdreg s24  }
0xb0: {  	[dreg:$0x4] =	wrdreg $0x9  }
0xb1: {  	_ =	task.clear_ibuf [dreg:s7], $0x5FFFF;
	_ =	strace $0x90000046  }
0xb2: {  	s29 =	simm.s32 $0x9;
	_ =	strace $0x80000048  }
0xb3: {  	_ =	swait.ge [sflag:s29], $0x1  }
0xb4: {  	[sflag:s29] =	ssyncadd.s32 $0xFFFFFFFF  }
0xb5: {  	_ =	strace $0x90000048  }
0xb6: {  	_ =	sfence  }
0xb7: {  	s30 =	sld [smem:$0x0];
	_ =	sdelay $0x2  }
0xb8: {  	s31 =	sshll.u32 s1, $0xD;
	s1 =	sshrl.u32 s1, $0x2  }
0xb9: {  	s3 =	sand.u32 $0x4000, s31;
	s1 =	sadd.s32 s1, s30  }
0xba: {  	s0 =	sor.u32 s3, s0;
	s1 =	sshll.u32 s1, $0x11  }
0xbb: {  	s0 =	sor.u32 s1, s0  }
0xbc: {  	s0 =	sadd.s32 $0x8F2B, s0  }
0xbd: {  	[sflag:s0] =	ssyncadd.remote.s32 $0x1  }
0xbe: {  	_ =	sfence.sel $0xFFFF  }
0xbf: {  	[dreg:$0x0] =	wrdreg $0xFFFFFFFF;
	(pc) =	sbr.abs _section_cstart, $3  }
0xc0: {  	[dreg:$0x1] =	wrdreg $0xFFFFFFFF  }
0xc1: {  	_ =	task.clear_ibuf [dreg:s7], $0x2FFFF;
	_ =	strace $0x9FFFFFFF  }
0xc2: {  	(tm) =	ssettm $0x7FFFFFFF  }
0xc3: {  	_ =	shalt  }
tec
execute0_lowered:
.L_overlay_start_1:
0x0: {  	(tag) =	ssettag $0x1  }
0x1: {  	s1 =	srdreg.scid;
	s0 =	stileid.u32  }
0x2: {  	s15 =	sand.u32 $0x1, s1;
	s31 =	sshll.u32 s0, $0x1  }
0x3: {  	s6 =	sor.u32 s15, s31  }
0x4: {  	s5 =	rddreg [dreg:$0x0];
	s3 =	smul.u32 $0x60, s6  }
0x5: {  	s7 =	rddreg [dreg:$0x1];
	s2 =	simm.s32 $0x0  }
0x6: {  	s4 =	simm.s32 $0x2;
	[smem:$0x7FF] =	sst s2;
	s3 =	sadd.s32 s3, s7  }
0x7: {  	s1 =	rddreg [dreg:$0x2];
	_ =	strace $0x80000047;
	s3 =	sadd.s32 $0xE00, s3  }
0x8: {  	[tilespmem:s2], [sflag:$0x2] =	stream.linear.gather [hbm4b:s3+s2], $0x300, $0x38;
	[tilespmem:$0xC300] =	vst v63  }
0x9: {  	s6 =	smul.u32 $0x1800, s6;
	_ =	swait.ge [sflag:s4], $0x300  }
0xa: {  	[sflag:s4] =	ssyncset.done $0x0  }
0xb: {  	s5 =	sadd.s32 s5, s6;
	s6 =	simm.s32 $0x300;
	[sflag:s4] =	ssyncadd.s32 $0xFFFFFD00  }
0xc: {  	[tilespmem:s6], [sflag:$0x2] =	stream.linear.gather [hbm4b:s5+s2], $0xC000, $0x38;
	[tilespmem:$0xC300] =	vst v63  }
0xd: {  	_ =	swait.ge [sflag:s4], $0xC000  }
0xe: {  	s9 =	simm.s32 $0x80;
	[sflag:s4] =	ssyncset.done $0x0  }
0xf: {  	s8 =	simm.s32 $0x1;
	s7 =	sadd.s32 $0x1A00, s7;
	[sflag:s4] =	ssyncadd.s32 $0xFFFF4000  }
0x10: {  	[hbm4b:s7+s9] =	stream.indirect.scatter [tilespmem:s6], [sflag:$0x1], $0x40, s2, s9, $0xb8;
	[tilespmem:$0xC300] =	vst v63  }
0x11: {  	_ =	swait.ge [sflag:s8], $0x2000  }
0x12: {  	[sflag:s8] =	ssyncset.done $0x0  }
0x13: {  	s10 =	simm.s32 $0x2300;
	[sflag:s8] =	ssyncadd.s32 $0xFFFFE000  }
0x14: {  	[hbm4b:s7+s9] =	stream.indirect.scatter [tilespmem:s10], [sflag:$0x1], $0x40, s9, s9, $0xb8;
	[tilespmem:$0xC300] =	vst v63  }
0x15: {  	_ =	swait.ge [sflag:s8], $0x2000  }
0x16: {  	[sflag:s8] =	ssyncset.done $0x0  }
0x17: {  	s11 =	simm.s32 $0x100;
	s12 =	simm.s32 $0x4300;
	[sflag:s8] =	ssyncadd.s32 $0xFFFFE000  }
0x18: {  	[hbm4b:s7+s9] =	stream.indirect.scatter [tilespmem:s12], [sflag:$0x1], $0x40, s11, s9, $0xb8;
	[tilespmem:$0xC300] =	vst v63  }
0x19: {  	_ =	swait.ge [sflag:s8], $0x2000  }
0x1a: {  	s13 =	simm.s32 $0x180;
	[sflag:s8] =	ssyncset.done $0x0  }
0x1b: {  	s14 =	simm.s32 $0x6300;
	s17 =	ssub.s32 $0x2, s15;
	[sflag:s8] =	ssyncadd.s32 $0xFFFFE000  }
0x1c: {  	[hbm4b:s7+s9] =	stream.indirect.scatter [tilespmem:s14], [sflag:$0x1], $0x40, s13, s9, $0xb8;
	[tilespmem:$0xC300] =	vst v63  }
0x1d: {  	s18 =	sshrl.u32 s17, $0x1;
	_ =	swait.ge [sflag:s8], $0x2000  }
0x1e: {  	s16 =	simm.s32 $0x8300;
	s17 =	ssub.s32 s17, s18;
	[sflag:s8] =	ssyncset.done $0x0  }
0x1f: {  	s15 =	simm.s32 $0x200;
	s19 =	smax.u32 s17, $0x1;
	[sflag:s8] =	ssyncadd.s32 $0xFFFFE000  }
0x20: {  	[hbm4b:s7+s9] =	stream.indirect.scatter [tilespmem:s16], [sflag:$0x1], $0x40, s15, s9, $0xb8;
	[tilespmem:$0xC300] =	vst v63  }
0x21: {  	p0 =	sne.s32 s19, $0x1;
	_ =	swait.ge [sflag:s8], $0x2000  }
.Ltmp0:
0x22: {  	[sflag:s8] =	ssyncset.done $0x0;
	(pc) =	sbr.rel @!p0 .LBB2_2-.Ltmp0, $4  }
0x23: {  	s18 =	simm.s32 $0xA300;
	s17 =	simm.s32 $0x280;
	[sflag:s8] =	ssyncadd.s32 $0xFFFFE000  }
0x24: {  	[hbm4b:s7+s9] =	stream.indirect.scatter [tilespmem:s18], [sflag:$0x1], $0x40, s17, s9, $0xb8;
	[tilespmem:$0xC300] =	vst v63  }
0x25: {  	_ =	swait.ge [sflag:s8], $0x2000  }
0x26: {  	s19 =	sadd.s32 $0xFFFFFFFF, s19;
	[sflag:s8] =	ssyncset.done $0x0  }
.LBB2_1:
0x27: {  	p0 =	sne.s32 s19, $0x1;
	s19 =	sadd.s32 $0xFFFFFFFF, s19;
	[sflag:s8] =	ssyncadd.s32 $0xFFFFE000  }
0x28: {  	[tilespmem:s2], [sflag:$0x2] =	stream.linear.gather [hbm4b:s3+s2], $0x300, $0x38;
	[tilespmem:$0xC300] =	vst v63  }
0x29: {  	_ =	swait.ge [sflag:s4], $0x300  }
0x2a: {  	[sflag:s4] =	ssyncset.done $0x0  }
0x2b: {  	[sflag:s4] =	ssyncadd.s32 $0xFFFFFD00  }
0x2c: {  	[tilespmem:s6], [sflag:$0x2] =	stream.linear.gather [hbm4b:s5+s2], $0xC000, $0x38;
	[tilespmem:$0xC300] =	vst v63  }
0x2d: {  	_ =	swait.ge [sflag:s4], $0xC000  }
0x2e: {  	[sflag:s4] =	ssyncset.done $0x0  }
0x2f: {  	[sflag:s4] =	ssyncadd.s32 $0xFFFF4000  }
0x30: {  	[hbm4b:s7+s9] =	stream.indirect.scatter [tilespmem:s6], [sflag:$0x1], $0x40, s2, s9, $0xb8;
	[tilespmem:$0xC300] =	vst v63  }
0x31: {  	_ =	swait.ge [sflag:s8], $0x2000  }
0x32: {  	[sflag:s8] =	ssyncset.done $0x0  }
0x33: {  	[sflag:s8] =	ssyncadd.s32 $0xFFFFE000  }
0x34: {  	[hbm4b:s7+s9] =	stream.indirect.scatter [tilespmem:s10], [sflag:$0x1], $0x40, s9, s9, $0xb8;
	[tilespmem:$0xC300] =	vst v63  }
0x35: {  	_ =	swait.ge [sflag:s8], $0x2000  }
0x36: {  	[sflag:s8] =	ssyncset.done $0x0  }
0x37: {  	[sflag:s8] =	ssyncadd.s32 $0xFFFFE000  }
0x38: {  	[hbm4b:s7+s9] =	stream.indirect.scatter [tilespmem:s12], [sflag:$0x1], $0x40, s11, s9, $0xb8;
	[tilespmem:$0xC300] =	vst v63  }
0x39: {  	_ =	swait.ge [sflag:s8], $0x2000  }
0x3a: {  	[sflag:s8] =	ssyncset.done $0x0  }
0x3b: {  	[sflag:s8] =	ssyncadd.s32 $0xFFFFE000  }
0x3c: {  	[hbm4b:s7+s9] =	stream.indirect.scatter [tilespmem:s14], [sflag:$0x1], $0x40, s13, s9, $0xb8;
	[tilespmem:$0xC300] =	vst v63  }
0x3d: {  	_ =	swait.ge [sflag:s8], $0x2000  }
0x3e: {  	[sflag:s8] =	ssyncset.done $0x0  }
0x3f: {  	[sflag:s8] =	ssyncadd.s32 $0xFFFFE000  }
0x40: {  	[hbm4b:s7+s9] =	stream.indirect.scatter [tilespmem:s16], [sflag:$0x1], $0x40, s15, s9, $0xb8;
	[tilespmem:$0xC300] =	vst v63  }
0x41: {  	_ =	swait.ge [sflag:s8], $0x2000  }
.Ltmp1:
0x42: {  	[sflag:s8] =	ssyncset.done $0x0;
	(pc) =	sbr.rel @p0 .LBB2_1-.Ltmp1, $4  }
0x43: {  	[sflag:s8] =	ssyncadd.s32 $0xFFFFE000  }
0x44: {  	[hbm4b:s7+s9] =	stream.indirect.scatter [tilespmem:s18], [sflag:$0x1], $0x40, s17, s9, $0xb8;
	[tilespmem:$0xC300] =	vst v63  }
0x45: {  	_ =	swait.ge [sflag:s8], $0x2000  }
0x46: {  	[sflag:s8] =	ssyncset.done $0x0  }
.LBB2_2:
0x47: {  	[sflag:s8] =	ssyncadd.s32 $0xFFFFE000  }
0x48: {  	_ =	sfence.sel $0x180000  }
0x49: {  	[bflag:$0x0] =	sbarrier.arrive $0xFFFF  }
0x4a: {  	p0 =	sne.s32 s0, $0x0;
	_ =	strace $0x90000047  }
0x4b: {  	s0 =	sadd.s32 @!p0 $0x100000, s1;
	[bflag:$0x2] =	sbarrier.arrive $0xFFFF  }
0x4c: {  	[sflag:s0] =	ssyncadd.tile.s32 @!p0 $0x1;
	_ =	shalt  }
.Lfunc_end2:
_tile_overlayer_lowered:
.L_overlay_start_2:
0x4d: {  	(tag) =	ssettag $0x2  }
0x4e: {  	s0 =	rddreg [dreg:$0x0];
	s2 =	stileid.u32  }
0x4f: {  	s1 =	rddreg [dreg:$0x1];
	p0 =	sne.s32 s2, $0x0  }
0x50: {  	s3 =	rddreg [dreg:$0x2];
	[bflag:$0x3] =	sbarrier.arrive $0xFFFF;
	s2 =	simm.s32 @!p0 $0x1C02  }
0x51: {  	[timem:s3], [sflag:s2] =	dma.local @!p0 [hbm:s0], s1  }
0x52: {  	s0 =	simm.s32 @!p0 $0x2  }
0x53: {  	_ =	swait.ge @!p0 [sflag:s0], s1  }
0x54: {  	s1 =	ssub.s32 @!p0 $0x0, s1;
	[sflag:s0] =	ssyncset.done @!p0 $0x0  }
0x55: {  	[sflag:s0] =	ssyncadd.s32 @!p0 s1  }
0x56: {  	[bflag:$0x3] =	sbarrier.arrive $0xFFFF  }
0x57: {  	_ =	shalt  }

</sc_bundles>
